<compile_context>
chip_gen: v7x
topology: tpu7x:2x2x1
jax: 0.10.2.dev20260603
libtpu: 0.0.44.dev20260713+nightly
codegen_flags: <defaults>
</compile_context>

<pallas_src>
import functools
import math

import jax
import jax.numpy as jnp
from jax import lax
from jax.experimental import pallas as pl
from jax.experimental.pallas import tpu as pltpu
from jax.experimental.pallas import tpu_sc as plsc

EPS = 1e-5
B = 256


def _routing_tables(t32, N, E, NBLK):
    oh = (t32[:, None] == jnp.arange(E, dtype=jnp.int32)[None, :]).astype(jnp.int32)
    csum = jnp.cumsum(oh, axis=0)
    counts = csum[-1]
    within = jnp.sum(oh * csum, axis=1) - 1
    padded = ((counts + B - 1) // B) * B
    po = jnp.concatenate([jnp.zeros((1,), jnp.int32),
                          jnp.cumsum(padded)[:-1].astype(jnp.int32)])
    dest = jnp.sum(oh * po[None, :], axis=1) + within
    blk_e = jnp.sum((jnp.arange(NBLK, dtype=jnp.int32)[None, :]
                     >= (po // B)[1:, None]).astype(jnp.int32), axis=0)
    return dest, blk_e


def _sc_scatter_rows(x, dest, NPAD):
    N, D = x.shape
    info = plsc.get_sparse_core_info()
    NC, NS = info.num_cores, info.num_subcores
    NW = NC * NS
    TPW = N // NW
    CH = 32
    NCH = TPW // CH
    mesh = plsc.VectorSubcoreMesh(core_axis_name="c", subcore_axis_name="s")
    dest3 = dest.reshape(NW, NCH, CH)

    @functools.partial(
        pl.kernel, mesh=mesh,
        out_type=jax.ShapeDtypeStruct((NPAD, D), x.dtype),
        scratch_types=[
            pltpu.VMEM((NCH, CH), jnp.int32),
            pltpu.VMEM((3, CH, D), x.dtype),
            pltpu.SemaphoreType.DMA,
            pltpu.SemaphoreType.DMA,
            pltpu.SemaphoreType.DMA,
            pltpu.SemaphoreType.DMA,
        ],
    )
    def scatter_rows(x_hbm, dest_hbm, out_hbm, d_v, rows_v,
                     sem_i0, sem_i1, sem_i2, sem_o):
        wid = lax.axis_index("s") * NC + lax.axis_index("c")
        base = wid * TPW
        sems = (sem_i0, sem_i1, sem_i2)

        def start_in(i, b):
            return pltpu.async_copy(
                x_hbm.at[pl.ds(base + i * CH, CH)], rows_v.at[b], sems[b])

        def start_out(i, b):
            return pltpu.async_copy(
                rows_v.at[b], out_hbm.at[d_v.at[i]], sem_o)

        NB = 3
        h_in = {0: start_in(0, 0), 1: start_in(1, 1)}
        pltpu.sync_copy(dest_hbm.at[wid], d_v)
        h_out = {}
        for i in range(NCH):
            b = i % NB
            h_in.pop(i).wait()
            if i + 2 < NCH:
                nb = (i + 2) % NB
                if h_out.get(nb) is not None:
                    h_out.pop(nb).wait()
                h_in[i + 2] = start_in(i + 2, nb)
            h_out[b] = start_out(i, b)
        for b, h in list(h_out.items()):
            h.wait()

    return scatter_rows(x, dest3)


def _sc_unpermute(y_pad, dest, N):
    info = plsc.get_sparse_core_info()
    NC, NS = info.num_cores, info.num_subcores
    NW = NC * NS
    OPW = N // NW
    CH = 128
    mesh = plsc.VectorSubcoreMesh(core_axis_name="c", subcore_axis_name="s")

    @functools.partial(
        pl.kernel, mesh=mesh,
        out_type=jax.ShapeDtypeStruct((N, 128), jnp.float32),
        scratch_types=[
            pltpu.VMEM((2, CH), jnp.int32),
            pltpu.VMEM((2, CH, 128), jnp.float32),
            pltpu.SemaphoreType.DMA,
            pltpu.SemaphoreType.DMA,
            pltpu.SemaphoreType.DMA,
        ],
    )
    def pick(y_hbm, dest_hbm, out_hbm, d_v, o_v, sem_d, sem_g, sem_w):
        wid = lax.axis_index("s") * NC + lax.axis_index("c")
        base = wid * OPW
        NCHU = OPW // CH
        hd = [pltpu.async_copy(dest_hbm.at[pl.ds(base + i * CH, CH)],
                               d_v.at[i], sem_d) for i in range(NCHU)]
        hg = [None] * NCHU
        hw = [None] * NCHU
        for i in range(NCHU):
            hd[i].wait()
            hg[i] = pltpu.async_copy(y_hbm.at[d_v.at[i]], o_v.at[i], sem_g)
        for i in range(NCHU):
            hg[i].wait()
            hw[i] = pltpu.async_copy(
                o_v.at[i], out_hbm.at[pl.ds(base + i * CH, CH)], sem_w)
        for i in range(NCHU):
            hw[i].wait()

    return pick(y_pad, dest)


def _tc_fused(x_sorted, blk_e, W0, b0, g0, be0, W1, b1, g1, be1, W2, b2, NBLK):
    NPAD, D = x_sorted.shape
    E, H1, H2 = W1.shape
    inv = 1.0 / math.sqrt(1.0 + EPS)

    def body(se_ref, xs_ref, W0_ref, a0_ref, W1_ref, a1_ref, out_ref):
        a0 = a0_ref[...]
        h = jnp.dot(xs_ref[...], W0_ref[...], preferred_element_type=jnp.float32)
        h = jnp.maximum(h + a0[0:1], 0.0)
        h = h * (inv * a0[1:2]) + a0[2:3]
        z = jnp.dot(h.astype(jnp.bfloat16), W1_ref[0],
                    preferred_element_type=jnp.float32)
        a1 = a1_ref[0]
        z = jnp.maximum(z + a1[0:1], 0.0)
        z = z * (inv * a1[1:2]) + a1[2:3]
        y = jnp.sum(z * a1[3:4], axis=1, keepdims=True) + a1[4:5, 0:1]
        out_ref[...] = jnp.broadcast_to(y, (B, 128))

    const = lambda b, se: (0, 0)
    exp3 = lambda b, se: (se[b], 0, 0)
    grid_spec = pltpu.PrefetchScalarGridSpec(
        num_scalar_prefetch=1,
        grid=(NBLK,),
        in_specs=[
            pl.BlockSpec((B, D), lambda b, se: (b, 0)),
            pl.BlockSpec((D, H1), const),
            pl.BlockSpec((3, H1), const),
            pl.BlockSpec((1, H1, H2), exp3),
            pl.BlockSpec((1, 5, H2), exp3),
        ],
        out_specs=pl.BlockSpec((B, 128), lambda b, se: (b, 0)),
    )
    aux0 = jnp.stack([b0, g0, be0], axis=0)
    aux1 = jnp.stack([b1, g1, be1, W2[:, :, 0],
                      jnp.broadcast_to(b2, (E, H2))], axis=1)
    return pl.pallas_call(
        body,
        grid_spec=grid_spec,
        out_shape=jax.ShapeDtypeStruct((NPAD, 128), jnp.float32),
        compiler_params=pltpu.CompilerParams(
            dimension_semantics=("arbitrary",)),
    )(blk_e, x_sorted, W0, aux0, W1, aux1)


def kernel(x, t, W0, b0, g0, be0, W1, b1, g1, be1, W2, b2):
    N, D = x.shape
    E, H1, H2 = W1.shape
    NBLK = N // B + E
    NPAD = NBLK * B
    t32 = t.astype(jnp.int32)

    dest, blk_e = _routing_tables(t32, N, E, NBLK)
    x_sorted = _sc_scatter_rows(x, dest, NPAD)
    y_pad = _tc_fused(x_sorted, blk_e, W0, b0, g0, be0,
                      W1, b1, g1, be1, W2, b2, NBLK)
    return _sc_unpermute(y_pad, dest, N)[:, :1]

# --- scband reference (transcript-rebuilt; emitter-appended) ---
"""Pipeline reference for scband-single-tarnet-23313082482709 (READ-ONLY COPY).

The authoritative reference and input builder live on the scoring server;
editing this copy changes nothing except your own understanding.
"""

import jax, jax.numpy as jnp
import numpy as np

EPS = 1e-5

def setup_inputs(seed: int = 0) -> dict:
    key = jax.random.key(seed)
    ks = jax.random.split(key, 8)
    N, D, H1, H2, E = 8192, 1024, 1024, 512, 8
    x = jax.random.normal(ks[0], (N, D), dtype=jnp.float32)
    t = jax.random.randint(ks[1], (N,), 0, E, dtype=jnp.int64) if jax.config.jax_enable_x64 else jax.random.randint(ks[1], (N,), 0, E, dtype=jnp.int32)
    W0 = jax.random.normal(ks[2], (D, H1), dtype=jnp.float32) * (1.0 / np.sqrt(D))
    b0 = jnp.zeros((H1,), dtype=jnp.float32)
    g0 = jnp.ones((H1,), dtype=jnp.float32)
    be0 = jnp.zeros((H1,), dtype=jnp.float32)
    W1 = jax.random.normal(ks[3], (E, H1, H2), dtype=jnp.float32) * (1.0 / np.sqrt(H1))
    b1 = jnp.zeros((E, H2), dtype=jnp.float32)
    g1 = jnp.ones((E, H2), dtype=jnp.float32)
    be1 = jnp.zeros((E, H2), dtype=jnp.float32)
    W2 = jax.random.normal(ks[4], (E, H2, 1), dtype=jnp.float32) * (1.0 / np.sqrt(H2))
    b2 = jnp.zeros((E, 1), dtype=jnp.float32)
    return {"x": x, "t": t, "W0": W0, "b0": b0, "g0": g0, "be0": be0,
            "W1": W1, "b1": b1, "g1": g1, "be1": be1, "W2": W2, "b2": b2}

def reference(x, t, W0, b0, g0, be0, W1, b1, g1, be1, W2, b2):
    # Shared feature net: Linear -> ReLU -> BatchNorm1d (eval: running_mean=0, running_var=1) -> Dropout (eval: identity)
    inv = 1.0 / jnp.sqrt(1.0 + EPS)
    h = jax.nn.relu(x @ W0 + b0)
    h = h * inv * g0 + be0
    # Per-treatment heads: Linear -> ReLU -> BatchNorm1d (eval) -> Dropout (eval) -> Linear
    z = jax.nn.relu(jnp.einsum('nd,edh->enh', h, W1) + b1[:, None, :])
    z = z * inv * g1[:, None, :] + be1[:, None, :]
    y = jnp.einsum('enh,eho->eno', z, W2) + b2[:, None, :]  # [E, N, 1]
    # Hard routing: predictions[mask_i] = head_i(repr[mask_i])
    E = W1.shape[0]
    onehot = (t[None, :] == jnp.arange(E)[:, None]).astype(x.dtype)  # [E, N]
    preds = jnp.sum(onehot[:, :, None] * y, axis=0)  # [N, 1]
    return preds

if __name__ == "__main__":
    import jax
    _d = setup_inputs()
    print(jax.jit(kernel)(*tuple(_d.values())))

</pallas_src>

<mosaic_0001>
#map = affine_map<(d0, d1) -> (0, 0)>
#map1 = affine_map<(d0, d1) -> (0, 0, 0)>
module attributes {stable_mosaic.version = 14 : i64} {
  func.func @scatter_rows(%arg0: i32, %arg1: i32, %arg2: memref<8192x1024xf32, #tpu.memory_space<hbm>>, %arg3: memref<32x8x32xi32, #tpu.memory_space<hbm>>, %arg4: memref<10240x1024xf32, #tpu.memory_space<hbm>>, %arg5: memref<8x32xi32, #tpu.memory_space<vmem>>, %arg6: memref<3x32x1024xf32, #tpu.memory_space<vmem>>, %arg7: memref<!tpu.dma_semaphore, #tpu.memory_space<semaphore_mem>>, %arg8: memref<!tpu.dma_semaphore, #tpu.memory_space<semaphore_mem>>, %arg9: memref<!tpu.dma_semaphore, #tpu.memory_space<semaphore_mem>>, %arg10: memref<!tpu.dma_semaphore, #tpu.memory_space<semaphore_mem>>) attributes {dimension_semantics = [#tpu.dimension_semantics<core_parallel>, #tpu.dimension_semantics<subcore_parallel>], iteration_bounds = array<i64: 2, 16>, scalar_prefetch = 0 : i64, scratch_operands = 6 : i64, tpu.core_type = #tpu.core_type<sc_vector_subcore>, window_params = [{transform_indices = #map}, {transform_indices = #map1}, {transform_indices = #map}]} {
    %mul3A = arith.constant 2 : i32
    %mul3A_0 = arith.muli %arg1, %mul3A : i32
    %add3A = arith.addi %mul3A_0, %arg0 : i32
    %mul3A_1 = arith.constant 256 : i32
    %mul3A_2 = arith.muli %add3A, %mul3A_1 : i32
    %add3A_3 = arith.constant 0 : i32
    %add3A_4 = arith.addi %mul3A_2, %add3A_3 : i32
    %dma_start3A = arith.constant 0 : i32
    %dma_start3A_5 = arith.constant 0 : i32
    %dma_start3A_6 = arith.constant 0 : i32
    %dma_start3A_7 = tpu.memref_slice %arg6[%dma_start3A, %dma_start3A_5, %dma_start3A_6] : memref<3x32x1024xf32, #tpu.memory_space<vmem>> -> memref<1x32x1024xf32, #tpu.memory_space<vmem>>
    %dma_start3A_8 = tpu.memref_squeeze %dma_start3A_7 : memref<1x32x1024xf32, #tpu.memory_space<vmem>> -> memref<32x1024xf32, #tpu.memory_space<vmem>>
    %dma_start3A_9 = arith.constant 0 : i32
    %dma_start3A_10 = tpu.memref_slice %arg2[%add3A_4, %dma_start3A_9] : memref<8192x1024xf32, #tpu.memory_space<hbm>> -> memref<32x1024xf32, #tpu.memory_space<hbm>>
    %dma_start3A_11 = arith.constant 0 : i32
    %dma_start3A_12 = arith.constant 0 : i32
    %dma_start3A_13 = tpu.memref_slice %arg6[%dma_start3A, %dma_start3A_11, %dma_start3A_12] : memref<3x32x1024xf32, #tpu.memory_space<vmem>> -> memref<1x32x1024xf32, #tpu.memory_space<vmem>>
    %dma_start3A_14 = tpu.memref_squeeze %dma_start3A_13 : memref<1x32x1024xf32, #tpu.memory_space<vmem>> -> memref<32x1024xf32, #tpu.memory_space<vmem>>
    %dma_start3A_15 = arith.constant 0 : i32
    %dma_start3A_16 = tpu.memref_slice %arg2[%add3A_4, %dma_start3A_15] : memref<8192x1024xf32, #tpu.memory_space<hbm>> -> memref<32x1024xf32, #tpu.memory_space<hbm>>
    tpu.enqueue_dma source(%dma_start3A_16 : memref<32x1024xf32, #tpu.memory_space<hbm>>) target(%dma_start3A_14 : memref<32x1024xf32, #tpu.memory_space<vmem>>) target_semaphore(%arg7 : memref<!tpu.dma_semaphore, #tpu.memory_space<semaphore_mem>>)
    %add3A_17 = arith.constant 32 : i32
    %add3A_18 = arith.addi %mul3A_2, %add3A_17 : i32
    %dma_start3A_19 = arith.constant 1 : i32
    %dma_start3A_20 = arith.constant 0 : i32
    %dma_start3A_21 = arith.constant 0 : i32
    %dma_start3A_22 = tpu.memref_slice %arg6[%dma_start3A_19, %dma_start3A_20, %dma_start3A_21] : memref<3x32x1024xf32, #tpu.memory_space<vmem>> -> memref<1x32x1024xf32, #tpu.memory_space<vmem>>
    %dma_start3A_23 = tpu.memref_squeeze %dma_start3A_22 : memref<1x32x1024xf32, #tpu.memory_space<vmem>> -> memref<32x1024xf32, #tpu.memory_space<vmem>>
    %dma_start3A_24 = arith.constant 0 : i32
    %dma_start3A_25 = tpu.memref_slice %arg2[%add3A_18, %dma_start3A_24] : memref<8192x1024xf32, #tpu.memory_space<hbm>> -> memref<32x1024xf32, #tpu.memory_space<hbm>>
    %dma_start3A_26 = arith.constant 0 : i32
    %dma_start3A_27 = arith.constant 0 : i32
    %dma_start3A_28 = tpu.memref_slice %arg6[%dma_start3A_19, %dma_start3A_26, %dma_start3A_27] : memref<3x32x1024xf32, #tpu.memory_space<vmem>> -> memref<1x32x1024xf32, #tpu.memory_space<vmem>>
    %dma_start3A_29 = tpu.memref_squeeze %dma_start3A_28 : memref<1x32x1024xf32, #tpu.memory_space<vmem>> -> memref<32x1024xf32, #tpu.memory_space<vmem>>
    %dma_start3A_30 = arith.constant 0 : i32
    %dma_start3A_31 = tpu.memref_slice %arg2[%add3A_18, %dma_start3A_30] : memref<8192x1024xf32, #tpu.memory_space<hbm>> -> memref<32x1024xf32, #tpu.memory_space<hbm>>
    tpu.enqueue_dma source(%dma_start3A_31 : memref<32x1024xf32, #tpu.memory_space<hbm>>) target(%dma_start3A_29 : memref<32x1024xf32, #tpu.memory_space<vmem>>) target_semaphore(%arg8 : memref<!tpu.dma_semaphore, #tpu.memory_space<semaphore_mem>>)
    "tpu.region"() ({
      %run_scoped3A = tpu.sem_alloc : memref<!tpu.dma_semaphore, #tpu.memory_space<semaphore_mem>>
      %dma_start3A_417 = arith.constant 0 : i32
      %dma_start3A_418 = arith.constant 0 : i32
      %dma_start3A_419 = tpu.memref_slice %arg3[%add3A, %dma_start3A_417, %dma_start3A_418] : memref<32x8x32xi32, #tpu.memory_space<hbm>> -> memref<1x8x32xi32, #tpu.memory_space<hbm>>
      %dma_start3A_420 = tpu.memref_squeeze %dma_start3A_419 : memref<1x8x32xi32, #tpu.memory_space<hbm>> -> memref<8x32xi32, #tpu.memory_space<hbm>>
      %dma_start3A_421 = arith.constant 0 : i32
      %dma_start3A_422 = arith.constant 0 : i32
      %dma_start3A_423 = tpu.memref_slice %arg3[%add3A, %dma_start3A_421, %dma_start3A_422] : memref<32x8x32xi32, #tpu.memory_space<hbm>> -> memref<1x8x32xi32, #tpu.memory_space<hbm>>
      %dma_start3A_424 = tpu.memref_squeeze %dma_start3A_423 : memref<1x8x32xi32, #tpu.memory_space<hbm>> -> memref<8x32xi32, #tpu.memory_space<hbm>>
      tpu.enqueue_dma source(%dma_start3A_424 : memref<8x32xi32, #tpu.memory_space<hbm>>) target(%arg5 : memref<8x32xi32, #tpu.memory_space<vmem>>) target_semaphore(%run_scoped3A : memref<!tpu.dma_semaphore, #tpu.memory_space<semaphore_mem>>)
      %dma_wait3A_425 = arith.constant 0 : i32
      %dma_wait3A_426 = arith.constant 0 : i32
      %dma_wait3A_427 = tpu.memref_slice %arg3[%add3A, %dma_wait3A_425, %dma_wait3A_426] : memref<32x8x32xi32, #tpu.memory_space<hbm>> -> memref<1x8x32xi32, #tpu.memory_space<hbm>>
      %dma_wait3A_428 = tpu.memref_squeeze %dma_wait3A_427 : memref<1x8x32xi32, #tpu.memory_space<hbm>> -> memref<8x32xi32, #tpu.memory_space<hbm>>
      %dma_wait3A_429 = arith.constant 0 : i32
      %dma_wait3A_430 = arith.constant 0 : i32
      %dma_wait3A_431 = tpu.memref_slice %arg3[%add3A, %dma_wait3A_429, %dma_wait3A_430] : memref<32x8x32xi32, #tpu.memory_space<hbm>> -> memref<1x8x32xi32, #tpu.memory_space<hbm>>
      %dma_wait3A_432 = tpu.memref_squeeze %dma_wait3A_431 : memref<1x8x32xi32, #tpu.memory_space<hbm>> -> memref<8x32xi32, #tpu.memory_space<hbm>>
      tpu.wait_dma2 semaphore(%run_scoped3A : memref<!tpu.dma_semaphore, #tpu.memory_space<semaphore_mem>>) src(%dma_wait3A_432 : memref<8x32xi32, #tpu.memory_space<hbm>>) dst(%arg5 : memref<8x32xi32, #tpu.memory_space<vmem>>)
      tpu.yield
    }) : () -> ()
    %dma_wait3A = arith.constant 0 : i32
    %dma_wait3A_32 = arith.constant 0 : i32
    %dma_wait3A_33 = arith.constant 0 : i32
    %dma_wait3A_34 = tpu.memref_slice %arg6[%dma_wait3A, %dma_wait3A_32, %dma_wait3A_33] : memref<3x32x1024xf32, #tpu.memory_space<vmem>> -> memref<1x32x1024xf32, #tpu.memory_space<vmem>>
    %dma_wait3A_35 = tpu.memref_squeeze %dma_wait3A_34 : memref<1x32x1024xf32, #tpu.memory_space<vmem>> -> memref<32x1024xf32, #tpu.memory_space<vmem>>
    %dma_wait3A_36 = arith.constant 0 : i32
    %dma_wait3A_37 = tpu.memref_slice %arg2[%add3A_4, %dma_wait3A_36] : memref<8192x1024xf32, #tpu.memory_space<hbm>> -> memref<32x1024xf32, #tpu.memory_space<hbm>>
    %dma_wait3A_38 = arith.constant 0 : i32
    %dma_wait3A_39 = arith.constant 0 : i32
    %dma_wait3A_40 = tpu.memref_slice %arg6[%dma_wait3A, %dma_wait3A_38, %dma_wait3A_39] : memref<3x32x1024xf32, #tpu.memory_space<vmem>> -> memref<1x32x1024xf32, #tpu.memory_space<vmem>>
    %dma_wait3A_41 = tpu.memref_squeeze %dma_wait3A_40 : memref<1x32x1024xf32, #tpu.memory_space<vmem>> -> memref<32x1024xf32, #tpu.memory_space<vmem>>
    %dma_wait3A_42 = arith.constant 0 : i32
    %dma_wait3A_43 = tpu.memref_slice %arg2[%add3A_4, %dma_wait3A_42] : memref<8192x1024xf32, #tpu.memory_space<hbm>> -> memref<32x1024xf32, #tpu.memory_space<hbm>>
    tpu.wait_dma2 semaphore(%arg7 : memref<!tpu.dma_semaphore, #tpu.memory_space<semaphore_mem>>) src(%dma_wait3A_43 : memref<32x1024xf32, #tpu.memory_space<hbm>>) dst(%dma_wait3A_41 : memref<32x1024xf32, #tpu.memory_space<vmem>>)
    %add3A_44 = arith.constant 64 : i32
    %add3A_45 = arith.addi %mul3A_2, %add3A_44 : i32
    %dma_start3A_46 = arith.constant 2 : i32
    %dma_start3A_47 = arith.constant 0 : i32
    %dma_start3A_48 = arith.constant 0 : i32
    %dma_start3A_49 = tpu.memref_slice %arg6[%dma_start3A_46, %dma_start3A_47, %dma_start3A_48] : memref<3x32x1024xf32, #tpu.memory_space<vmem>> -> memref<1x32x1024xf32, #tpu.memory_space<vmem>>
    %dma_start3A_50 = tpu.memref_squeeze %dma_start3A_49 : memref<1x32x1024xf32, #tpu.memory_space<vmem>> -> memref<32x1024xf32, #tpu.memory_space<vmem>>
    %dma_start3A_51 = arith.constant 0 : i32
    %dma_start3A_52 = tpu.memref_slice %arg2[%add3A_45, %dma_start3A_51] : memref<8192x1024xf32, #tpu.memory_space<hbm>> -> memref<32x1024xf32, #tpu.memory_space<hbm>>
    %dma_start3A_53 = arith.constant 0 : i32
    %dma_start3A_54 = arith.constant 0 : i32
    %dma_start3A_55 = tpu.memref_slice %arg6[%dma_start3A_46, %dma_start3A_53, %dma_start3A_54] : memref<3x32x1024xf32, #tpu.memory_space<vmem>> -> memref<1x32x1024xf32, #tpu.memory_space<vmem>>
    %dma_start3A_56 = tpu.memref_squeeze %dma_start3A_55 : memref<1x32x1024xf32, #tpu.memory_space<vmem>> -> memref<32x1024xf32, #tpu.memory_space<vmem>>
    %dma_start3A_57 = arith.constant 0 : i32
    %dma_start3A_58 = tpu.memref_slice %arg2[%add3A_45, %dma_start3A_57] : memref<8192x1024xf32, #tpu.memory_space<hbm>> -> memref<32x1024xf32, #tpu.memory_space<hbm>>
    tpu.enqueue_dma source(%dma_start3A_58 : memref<32x1024xf32, #tpu.memory_space<hbm>>) target(%dma_start3A_56 : memref<32x1024xf32, #tpu.memory_space<vmem>>) target_semaphore(%arg9 : memref<!tpu.dma_semaphore, #tpu.memory_space<semaphore_mem>>)
    %dma_start3A_59 = arith.constant 0 : i32
    %dma_start3A_60 = arith.constant 0 : i32
    %dma_start3A_61 = arith.constant 0 : i32
    %dma_start3A_62 = arith.constant 0 : i32
    %dma_start3A_63 = tpu.memref_slice %arg6[%dma_start3A_59, %dma_start3A_61, %dma_start3A_62] : memref<3x32x1024xf32, #tpu.memory_space<vmem>> -> memref<1x32x1024xf32, #tpu.memory_space<vmem>>
    %dma_start3A_64 = tpu.memref_squeeze %dma_start3A_63 : memref<1x32x1024xf32, #tpu.memory_space<vmem>> -> memref<32x1024xf32, #tpu.memory_space<vmem>>
    %dma_start3A_65 = arith.constant 0 : i32
    %dma_start3A_66 = tpu.memref_slice %arg5[%dma_start3A_60, %dma_start3A_65] : memref<8x32xi32, #tpu.memory_space<vmem>> -> memref<1x32xi32, #tpu.memory_space<vmem>>
    %dma_start3A_67 = tpu.memref_squeeze %dma_start3A_66 : memref<1x32xi32, #tpu.memory_space<vmem>> -> memref<32xi32, #tpu.memory_space<vmem>>
    %dma_start3A_68 = arith.constant 0 : i32
    %dma_start3A_69 = arith.constant 0 : i32
    %dma_start3A_70 = tpu.memref_slice %arg4[%dma_start3A_68, %dma_start3A_69] : memref<10240x1024xf32, #tpu.memory_space<hbm>> -> memref<10240x1024xf32, #tpu.memory_space<hbm>>
    tpu.enqueue_indirect_dma source(%dma_start3A_64 : memref<32x1024xf32, #tpu.memory_space<vmem>>) target(%dma_start3A_70 : memref<10240x1024xf32, #tpu.memory_space<hbm>>) offsets(%dma_start3A_67 : memref<32xi32, #tpu.memory_space<vmem>>) semaphore(%arg10 : memref<!tpu.dma_semaphore, #tpu.memory_space<semaphore_mem>>)
    %dma_wait3A_71 = arith.constant 1 : i32
    %dma_wait3A_72 = arith.constant 0 : i32
    %dma_wait3A_73 = arith.constant 0 : i32
    %dma_wait3A_74 = tpu.memref_slice %arg6[%dma_wait3A_71, %dma_wait3A_72, %dma_wait3A_73] : memref<3x32x1024xf32, #tpu.memory_space<vmem>> -> memref<1x32x1024xf32, #tpu.memory_space<vmem>>
    %dma_wait3A_75 = tpu.memref_squeeze %dma_wait3A_74 : memref<1x32x1024xf32, #tpu.memory_space<vmem>> -> memref<32x1024xf32, #tpu.memory_space<vmem>>
    %dma_wait3A_76 = arith.constant 0 : i32
    %dma_wait3A_77 = tpu.memref_slice %arg2[%add3A_18, %dma_wait3A_76] : memref<8192x1024xf32, #tpu.memory_space<hbm>> -> memref<32x1024xf32, #tpu.memory_space<hbm>>
    %dma_wait3A_78 = arith.constant 0 : i32
    %dma_wait3A_79 = arith.constant 0 : i32
    %dma_wait3A_80 = tpu.memref_slice %arg6[%dma_wait3A_71, %dma_wait3A_78, %dma_wait3A_79] : memref<3x32x1024xf32, #tpu.memory_space<vmem>> -> memref<1x32x1024xf32, #tpu.memory_space<vmem>>
    %dma_wait3A_81 = tpu.memref_squeeze %dma_wait3A_80 : memref<1x32x1024xf32, #tpu.memory_space<vmem>> -> memref<32x1024xf32, #tpu.memory_space<vmem>>
    %dma_wait3A_82 = arith.constant 0 : i32
    %dma_wait3A_83 = tpu.memref_slice %arg2[%add3A_18, %dma_wait3A_82] : memref<8192x1024xf32, #tpu.memory_space<hbm>> -> memref<32x1024xf32, #tpu.memory_space<hbm>>
    tpu.wait_dma2 semaphore(%arg8 : memref<!tpu.dma_semaphore, #tpu.memory_space<semaphore_mem>>) src(%dma_wait3A_83 : memref<32x1024xf32, #tpu.memory_space<hbm>>) dst(%dma_wait3A_81 : memref<32x1024xf32, #tpu.memory_space<vmem>>)
    %dma_wait3A_84 = arith.constant 0 : i32
    %dma_wait3A_85 = arith.constant 0 : i32
    %dma_wait3A_86 = arith.constant 0 : i32
    %dma_wait3A_87 = arith.constant 0 : i32
    %dma_wait3A_88 = tpu.memref_slice %arg6[%dma_wait3A_84, %dma_wait3A_86, %dma_wait3A_87] : memref<3x32x1024xf32, #tpu.memory_space<vmem>> -> memref<1x32x1024xf32, #tpu.memory_space<vmem>>
    %dma_wait3A_89 = tpu.memref_squeeze %dma_wait3A_88 : memref<1x32x1024xf32, #tpu.memory_space<vmem>> -> memref<32x1024xf32, #tpu.memory_space<vmem>>
    %dma_wait3A_90 = arith.constant 0 : i32
    %dma_wait3A_91 = tpu.memref_slice %arg5[%dma_wait3A_85, %dma_wait3A_90] : memref<8x32xi32, #tpu.memory_space<vmem>> -> memref<1x32xi32, #tpu.memory_space<vmem>>
    %dma_wait3A_92 = tpu.memref_squeeze %dma_wait3A_91 : memref<1x32xi32, #tpu.memory_space<vmem>> -> memref<32xi32, #tpu.memory_space<vmem>>
    %dma_wait3A_93 = arith.constant 0 : i32
    %dma_wait3A_94 = arith.constant 0 : i32
    %dma_wait3A_95 = tpu.memref_slice %arg4[%dma_wait3A_93, %dma_wait3A_94] : memref<10240x1024xf32, #tpu.memory_space<hbm>> -> memref<10240x1024xf32, #tpu.memory_space<hbm>>
    tpu.wait_indirect_dma semaphore(%arg10 : memref<!tpu.dma_semaphore, #tpu.memory_space<semaphore_mem>>) src(%dma_wait3A_89 : memref<32x1024xf32, #tpu.memory_space<vmem>>) dst(%dma_wait3A_95 : memref<10240x1024xf32, #tpu.memory_space<hbm>>)
    %add3A_96 = arith.constant 96 : i32
    %add3A_97 = arith.addi %mul3A_2, %add3A_96 : i32
    %dma_start3A_98 = arith.constant 0 : i32
    %dma_start3A_99 = arith.constant 0 : i32
    %dma_start3A_100 = arith.constant 0 : i32
    %dma_start3A_101 = tpu.memref_slice %arg6[%dma_start3A_98, %dma_start3A_99, %dma_start3A_100] : memref<3x32x1024xf32, #tpu.memory_space<vmem>> -> memref<1x32x1024xf32, #tpu.memory_space<vmem>>
    %dma_start3A_102 = tpu.memref_squeeze %dma_start3A_101 : memref<1x32x1024xf32, #tpu.memory_space<vmem>> -> memref<32x1024xf32, #tpu.memory_space<vmem>>
    %dma_start3A_103 = arith.constant 0 : i32
    %dma_start3A_104 = tpu.memref_slice %arg2[%add3A_97, %dma_start3A_103] : memref<8192x1024xf32, #tpu.memory_space<hbm>> -> memref<32x1024xf32, #tpu.memory_space<hbm>>
    %dma_start3A_105 = arith.constant 0 : i32
    %dma_start3A_106 = arith.constant 0 : i32
    %dma_start3A_107 = tpu.memref_slice %arg6[%dma_start3A_98, %dma_start3A_105, %dma_start3A_106] : memref<3x32x1024xf32, #tpu.memory_space<vmem>> -> memref<1x32x1024xf32, #tpu.memory_space<vmem>>
    %dma_start3A_108 = tpu.memref_squeeze %dma_start3A_107 : memref<1x32x1024xf32, #tpu.memory_space<vmem>> -> memref<32x1024xf32, #tpu.memory_space<vmem>>
    %dma_start3A_109 = arith.constant 0 : i32
    %dma_start3A_110 = tpu.memref_slice %arg2[%add3A_97, %dma_start3A_109] : memref<8192x1024xf32, #tpu.memory_space<hbm>> -> memref<32x1024xf32, #tpu.memory_space<hbm>>
    tpu.enqueue_dma source(%dma_start3A_110 : memref<32x1024xf32, #tpu.memory_space<hbm>>) target(%dma_start3A_108 : memref<32x1024xf32, #tpu.memory_space<vmem>>) target_semaphore(%arg7 : memref<!tpu.dma_semaphore, #tpu.memory_space<semaphore_mem>>)
    %dma_start3A_111 = arith.constant 1 : i32
    %dma_start3A_112 = arith.constant 1 : i32
    %dma_start3A_113 = arith.constant 0 : i32
    %dma_start3A_114 = arith.constant 0 : i32
    %dma_start3A_115 = tpu.memref_slice %arg6[%dma_start3A_111, %dma_start3A_113, %dma_start3A_114] : memref<3x32x1024xf32, #tpu.memory_space<vmem>> -> memref<1x32x1024xf32, #tpu.memory_space<vmem>>
    %dma_start3A_116 = tpu.memref_squeeze %dma_start3A_115 : memref<1x32x1024xf32, #tpu.memory_space<vmem>> -> memref<32x1024xf32, #tpu.memory_space<vmem>>
    %dma_start3A_117 = arith.constant 0 : i32
    %dma_start3A_118 = tpu.memref_slice %arg5[%dma_start3A_112, %dma_start3A_117] : memref<8x32xi32, #tpu.memory_space<vmem>> -> memref<1x32xi32, #tpu.memory_space<vmem>>
    %dma_start3A_119 = tpu.memref_squeeze %dma_start3A_118 : memref<1x32xi32, #tpu.memory_space<vmem>> -> memref<32xi32, #tpu.memory_space<vmem>>
    %dma_start3A_120 = arith.constant 0 : i32
    %dma_start3A_121 = arith.constant 0 : i32
    %dma_start3A_122 = tpu.memref_slice %arg4[%dma_start3A_120, %dma_start3A_121] : memref<10240x1024xf32, #tpu.memory_space<hbm>> -> memref<10240x1024xf32, #tpu.memory_space<hbm>>
    tpu.enqueue_indirect_dma source(%dma_start3A_116 : memref<32x1024xf32, #tpu.memory_space<vmem>>) target(%dma_start3A_122 : memref<10240x1024xf32, #tpu.memory_space<hbm>>) offsets(%dma_start3A_119 : memref<32xi32, #tpu.memory_space<vmem>>) semaphore(%arg10 : memref<!tpu.dma_semaphore, #tpu.memory_space<semaphore_mem>>)
    %dma_wait3A_123 = arith.constant 2 : i32
    %dma_wait3A_124 = arith.constant 0 : i32
    %dma_wait3A_125 = arith.constant 0 : i32
    %dma_wait3A_126 = tpu.memref_slice %arg6[%dma_wait3A_123, %dma_wait3A_124, %dma_wait3A_125] : memref<3x32x1024xf32, #tpu.memory_space<vmem>> -> memref<1x32x1024xf32, #tpu.memory_space<vmem>>
    %dma_wait3A_127 = tpu.memref_squeeze %dma_wait3A_126 : memref<1x32x1024xf32, #tpu.memory_space<vmem>> -> memref<32x1024xf32, #tpu.memory_space<vmem>>
    %dma_wait3A_128 = arith.constant 0 : i32
    %dma_wait3A_129 = tpu.memref_slice %arg2[%add3A_45, %dma_wait3A_128] : memref<8192x1024xf32, #tpu.memory_space<hbm>> -> memref<32x1024xf32, #tpu.memory_space<hbm>>
    %dma_wait3A_130 = arith.constant 0 : i32
    %dma_wait3A_131 = arith.constant 0 : i32
    %dma_wait3A_132 = tpu.memref_slice %arg6[%dma_wait3A_123, %dma_wait3A_130, %dma_wait3A_131] : memref<3x32x1024xf32, #tpu.memory_space<vmem>> -> memref<1x32x1024xf32, #tpu.memory_space<vmem>>
    %dma_wait3A_133 = tpu.memref_squeeze %dma_wait3A_132 : memref<1x32x1024xf32, #tpu.memory_space<vmem>> -> memref<32x1024xf32, #tpu.memory_space<vmem>>
    %dma_wait3A_134 = arith.constant 0 : i32
    %dma_wait3A_135 = tpu.memref_slice %arg2[%add3A_45, %dma_wait3A_134] : memref<8192x1024xf32, #tpu.memory_space<hbm>> -> memref<32x1024xf32, #tpu.memory_space<hbm>>
    tpu.wait_dma2 semaphore(%arg9 : memref<!tpu.dma_semaphore, #tpu.memory_space<semaphore_mem>>) src(%dma_wait3A_135 : memref<32x1024xf32, #tpu.memory_space<hbm>>) dst(%dma_wait3A_133 : memref<32x1024xf32, #tpu.memory_space<vmem>>)
    %dma_wait3A_136 = arith.constant 1 : i32
    %dma_wait3A_137 = arith.constant 1 : i32
    %dma_wait3A_138 = arith.constant 0 : i32
    %dma_wait3A_139 = arith.constant 0 : i32
    %dma_wait3A_140 = tpu.memref_slice %arg6[%dma_wait3A_136, %dma_wait3A_138, %dma_wait3A_139] : memref<3x32x1024xf32, #tpu.memory_space<vmem>> -> memref<1x32x1024xf32, #tpu.memory_space<vmem>>
    %dma_wait3A_141 = tpu.memref_squeeze %dma_wait3A_140 : memref<1x32x1024xf32, #tpu.memory_space<vmem>> -> memref<32x1024xf32, #tpu.memory_space<vmem>>
    %dma_wait3A_142 = arith.constant 0 : i32
    %dma_wait3A_143 = tpu.memref_slice %arg5[%dma_wait3A_137, %dma_wait3A_142] : memref<8x32xi32, #tpu.memory_space<vmem>> -> memref<1x32xi32, #tpu.memory_space<vmem>>
    %dma_wait3A_144 = tpu.memref_squeeze %dma_wait3A_143 : memref<1x32xi32, #tpu.memory_space<vmem>> -> memref<32xi32, #tpu.memory_space<vmem>>
    %dma_wait3A_145 = arith.constant 0 : i32
    %dma_wait3A_146 = arith.constant 0 : i32
    %dma_wait3A_147 = tpu.memref_slice %arg4[%dma_wait3A_145, %dma_wait3A_146] : memref<10240x1024xf32, #tpu.memory_space<hbm>> -> memref<10240x1024xf32, #tpu.memory_space<hbm>>
    tpu.wait_indirect_dma semaphore(%arg10 : memref<!tpu.dma_semaphore, #tpu.memory_space<semaphore_mem>>) src(%dma_wait3A_141 : memref<32x1024xf32, #tpu.memory_space<vmem>>) dst(%dma_wait3A_147 : memref<10240x1024xf32, #tpu.memory_space<hbm>>)
    %add3A_148 = arith.constant 128 : i32
    %add3A_149 = arith.addi %mul3A_2, %add3A_148 : i32
    %dma_start3A_150 = arith.constant 1 : i32
    %dma_start3A_151 = arith.constant 0 : i32
    %dma_start3A_152 = arith.constant 0 : i32
    %dma_start3A_153 = tpu.memref_slice %arg6[%dma_start3A_150, %dma_start3A_151, %dma_start3A_152] : memref<3x32x1024xf32, #tpu.memory_space<vmem>> -> memref<1x32x1024xf32, #tpu.memory_space<vmem>>
    %dma_start3A_154 = tpu.memref_squeeze %dma_start3A_153 : memref<1x32x1024xf32, #tpu.memory_space<vmem>> -> memref<32x1024xf32, #tpu.memory_space<vmem>>
    %dma_start3A_155 = arith.constant 0 : i32
    %dma_start3A_156 = tpu.memref_slice %arg2[%add3A_149, %dma_start3A_155] : memref<8192x1024xf32, #tpu.memory_space<hbm>> -> memref<32x1024xf32, #tpu.memory_space<hbm>>
    %dma_start3A_157 = arith.constant 0 : i32
    %dma_start3A_158 = arith.constant 0 : i32
    %dma_start3A_159 = tpu.memref_slice %arg6[%dma_start3A_150, %dma_start3A_157, %dma_start3A_158] : memref<3x32x1024xf32, #tpu.memory_space<vmem>> -> memref<1x32x1024xf32, #tpu.memory_space<vmem>>
    %dma_start3A_160 = tpu.memref_squeeze %dma_start3A_159 : memref<1x32x1024xf32, #tpu.memory_space<vmem>> -> memref<32x1024xf32, #tpu.memory_space<vmem>>
    %dma_start3A_161 = arith.constant 0 : i32
    %dma_start3A_162 = tpu.memref_slice %arg2[%add3A_149, %dma_start3A_161] : memref<8192x1024xf32, #tpu.memory_space<hbm>> -> memref<32x1024xf32, #tpu.memory_space<hbm>>
    tpu.enqueue_dma source(%dma_start3A_162 : memref<32x1024xf32, #tpu.memory_space<hbm>>) target(%dma_start3A_160 : memref<32x1024xf32, #tpu.memory_space<vmem>>) target_semaphore(%arg8 : memref<!tpu.dma_semaphore, #tpu.memory_space<semaphore_mem>>)
    %dma_start3A_163 = arith.constant 2 : i32
    %dma_start3A_164 = arith.constant 2 : i32
    %dma_start3A_165 = arith.constant 0 : i32
    %dma_start3A_166 = arith.constant 0 : i32
    %dma_start3A_167 = tpu.memref_slice %arg6[%dma_start3A_163, %dma_start3A_165, %dma_start3A_166] : memref<3x32x1024xf32, #tpu.memory_space<vmem>> -> memref<1x32x1024xf32, #tpu.memory_space<vmem>>
    %dma_start3A_168 = tpu.memref_squeeze %dma_start3A_167 : memref<1x32x1024xf32, #tpu.memory_space<vmem>> -> memref<32x1024xf32, #tpu.memory_space<vmem>>
    %dma_start3A_169 = arith.constant 0 : i32
    %dma_start3A_170 = tpu.memref_slice %arg5[%dma_start3A_164, %dma_start3A_169] : memref<8x32xi32, #tpu.memory_space<vmem>> -> memref<1x32xi32, #tpu.memory_space<vmem>>
    %dma_start3A_171 = tpu.memref_squeeze %dma_start3A_170 : memref<1x32xi32, #tpu.memory_space<vmem>> -> memref<32xi32, #tpu.memory_space<vmem>>
    %dma_start3A_172 = arith.constant 0 : i32
    %dma_start3A_173 = arith.constant 0 : i32
    %dma_start3A_174 = tpu.memref_slice %arg4[%dma_start3A_172, %dma_start3A_173] : memref<10240x1024xf32, #tpu.memory_space<hbm>> -> memref<10240x1024xf32, #tpu.memory_space<hbm>>
    tpu.enqueue_indirect_dma source(%dma_start3A_168 : memref<32x1024xf32, #tpu.memory_space<vmem>>) target(%dma_start3A_174 : memref<10240x1024xf32, #tpu.memory_space<hbm>>) offsets(%dma_start3A_171 : memref<32xi32, #tpu.memory_space<vmem>>) semaphore(%arg10 : memref<!tpu.dma_semaphore, #tpu.memory_space<semaphore_mem>>)
    %dma_wait3A_175 = arith.constant 0 : i32
    %dma_wait3A_176 = arith.constant 0 : i32
    %dma_wait3A_177 = arith.constant 0 : i32
    %dma_wait3A_178 = tpu.memref_slice %arg6[%dma_wait3A_175, %dma_wait3A_176, %dma_wait3A_177] : memref<3x32x1024xf32, #tpu.memory_space<vmem>> -> memref<1x32x1024xf32, #tpu.memory_space<vmem>>
    %dma_wait3A_179 = tpu.memref_squeeze %dma_wait3A_178 : memref<1x32x1024xf32, #tpu.memory_space<vmem>> -> memref<32x1024xf32, #tpu.memory_space<vmem>>
    %dma_wait3A_180 = arith.constant 0 : i32
    %dma_wait3A_181 = tpu.memref_slice %arg2[%add3A_97, %dma_wait3A_180] : memref<8192x1024xf32, #tpu.memory_space<hbm>> -> memref<32x1024xf32, #tpu.memory_space<hbm>>
    %dma_wait3A_182 = arith.constant 0 : i32
    %dma_wait3A_183 = arith.constant 0 : i32
    %dma_wait3A_184 = tpu.memref_slice %arg6[%dma_wait3A_175, %dma_wait3A_182, %dma_wait3A_183] : memref<3x32x1024xf32, #tpu.memory_space<vmem>> -> memref<1x32x1024xf32, #tpu.memory_space<vmem>>
    %dma_wait3A_185 = tpu.memref_squeeze %dma_wait3A_184 : memref<1x32x1024xf32, #tpu.memory_space<vmem>> -> memref<32x1024xf32, #tpu.memory_space<vmem>>
    %dma_wait3A_186 = arith.constant 0 : i32
    %dma_wait3A_187 = tpu.memref_slice %arg2[%add3A_97, %dma_wait3A_186] : memref<8192x1024xf32, #tpu.memory_space<hbm>> -> memref<32x1024xf32, #tpu.memory_space<hbm>>
    tpu.wait_dma2 semaphore(%arg7 : memref<!tpu.dma_semaphore, #tpu.memory_space<semaphore_mem>>) src(%dma_wait3A_187 : memref<32x1024xf32, #tpu.memory_space<hbm>>) dst(%dma_wait3A_185 : memref<32x1024xf32, #tpu.memory_space<vmem>>)
    %dma_wait3A_188 = arith.constant 2 : i32
    %dma_wait3A_189 = arith.constant 2 : i32
    %dma_wait3A_190 = arith.constant 0 : i32
    %dma_wait3A_191 = arith.constant 0 : i32
    %dma_wait3A_192 = tpu.memref_slice %arg6[%dma_wait3A_188, %dma_wait3A_190, %dma_wait3A_191] : memref<3x32x1024xf32, #tpu.memory_space<vmem>> -> memref<1x32x1024xf32, #tpu.memory_space<vmem>>
    %dma_wait3A_193 = tpu.memref_squeeze %dma_wait3A_192 : memref<1x32x1024xf32, #tpu.memory_space<vmem>> -> memref<32x1024xf32, #tpu.memory_space<vmem>>
    %dma_wait3A_194 = arith.constant 0 : i32
    %dma_wait3A_195 = tpu.memref_slice %arg5[%dma_wait3A_189, %dma_wait3A_194] : memref<8x32xi32, #tpu.memory_space<vmem>> -> memref<1x32xi32, #tpu.memory_space<vmem>>
    %dma_wait3A_196 = tpu.memref_squeeze %dma_wait3A_195 : memref<1x32xi32, #tpu.memory_space<vmem>> -> memref<32xi32, #tpu.memory_space<vmem>>
    %dma_wait3A_197 = arith.constant 0 : i32
    %dma_wait3A_198 = arith.constant 0 : i32
    %dma_wait3A_199 = tpu.memref_slice %arg4[%dma_wait3A_197, %dma_wait3A_198] : memref<10240x1024xf32, #tpu.memory_space<hbm>> -> memref<10240x1024xf32, #tpu.memory_space<hbm>>
    tpu.wait_indirect_dma semaphore(%arg10 : memref<!tpu.dma_semaphore, #tpu.memory_space<semaphore_mem>>) src(%dma_wait3A_193 : memref<32x1024xf32, #tpu.memory_space<vmem>>) dst(%dma_wait3A_199 : memref<10240x1024xf32, #tpu.memory_space<hbm>>)
    %add3A_200 = arith.constant 160 : i32
    %add3A_201 = arith.addi %mul3A_2, %add3A_200 : i32
    %dma_start3A_202 = arith.constant 2 : i32
    %dma_start3A_203 = arith.constant 0 : i32
    %dma_start3A_204 = arith.constant 0 : i32
    %dma_start3A_205 = tpu.memref_slice %arg6[%dma_start3A_202, %dma_start3A_203, %dma_start3A_204] : memref<3x32x1024xf32, #tpu.memory_space<vmem>> -> memref<1x32x1024xf32, #tpu.memory_space<vmem>>
    %dma_start3A_206 = tpu.memref_squeeze %dma_start3A_205 : memref<1x32x1024xf32, #tpu.memory_space<vmem>> -> memref<32x1024xf32, #tpu.memory_space<vmem>>
    %dma_start3A_207 = arith.constant 0 : i32
    %dma_start3A_208 = tpu.memref_slice %arg2[%add3A_201, %dma_start3A_207] : memref<8192x1024xf32, #tpu.memory_space<hbm>> -> memref<32x1024xf32, #tpu.memory_space<hbm>>
    %dma_start3A_209 = arith.constant 0 : i32
    %dma_start3A_210 = arith.constant 0 : i32
    %dma_start3A_211 = tpu.memref_slice %arg6[%dma_start3A_202, %dma_start3A_209, %dma_start3A_210] : memref<3x32x1024xf32, #tpu.memory_space<vmem>> -> memref<1x32x1024xf32, #tpu.memory_space<vmem>>
    %dma_start3A_212 = tpu.memref_squeeze %dma_start3A_211 : memref<1x32x1024xf32, #tpu.memory_space<vmem>> -> memref<32x1024xf32, #tpu.memory_space<vmem>>
    %dma_start3A_213 = arith.constant 0 : i32
    %dma_start3A_214 = tpu.memref_slice %arg2[%add3A_201, %dma_start3A_213] : memref<8192x1024xf32, #tpu.memory_space<hbm>> -> memref<32x1024xf32, #tpu.memory_space<hbm>>
    tpu.enqueue_dma source(%dma_start3A_214 : memref<32x1024xf32, #tpu.memory_space<hbm>>) target(%dma_start3A_212 : memref<32x1024xf32, #tpu.memory_space<vmem>>) target_semaphore(%arg9 : memref<!tpu.dma_semaphore, #tpu.memory_space<semaphore_mem>>)
    %dma_start3A_215 = arith.constant 0 : i32
    %dma_start3A_216 = arith.constant 3 : i32
    %dma_start3A_217 = arith.constant 0 : i32
    %dma_start3A_218 = arith.constant 0 : i32
    %dma_start3A_219 = tpu.memref_slice %arg6[%dma_start3A_215, %dma_start3A_217, %dma_start3A_218] : memref<3x32x1024xf32, #tpu.memory_space<vmem>> -> memref<1x32x1024xf32, #tpu.memory_space<vmem>>
    %dma_start3A_220 = tpu.memref_squeeze %dma_start3A_219 : memref<1x32x1024xf32, #tpu.memory_space<vmem>> -> memref<32x1024xf32, #tpu.memory_space<vmem>>
    %dma_start3A_221 = arith.constant 0 : i32
    %dma_start3A_222 = tpu.memref_slice %arg5[%dma_start3A_216, %dma_start3A_221] : memref<8x32xi32, #tpu.memory_space<vmem>> -> memref<1x32xi32, #tpu.memory_space<vmem>>
    %dma_start3A_223 = tpu.memref_squeeze %dma_start3A_222 : memref<1x32xi32, #tpu.memory_space<vmem>> -> memref<32xi32, #tpu.memory_space<vmem>>
    %dma_start3A_224 = arith.constant 0 : i32
    %dma_start3A_225 = arith.constant 0 : i32
    %dma_start3A_226 = tpu.memref_slice %arg4[%dma_start3A_224, %dma_start3A_225] : memref<10240x1024xf32, #tpu.memory_space<hbm>> -> memref<10240x1024xf32, #tpu.memory_space<hbm>>
    tpu.enqueue_indirect_dma source(%dma_start3A_220 : memref<32x1024xf32, #tpu.memory_space<vmem>>) target(%dma_start3A_226 : memref<10240x1024xf32, #tpu.memory_space<hbm>>) offsets(%dma_start3A_223 : memref<32xi32, #tpu.memory_space<vmem>>) semaphore(%arg10 : memref<!tpu.dma_semaphore, #tpu.memory_space<semaphore_mem>>)
    %dma_wait3A_227 = arith.constant 1 : i32
    %dma_wait3A_228 = arith.constant 0 : i32
    %dma_wait3A_229 = arith.constant 0 : i32
    %dma_wait3A_230 = tpu.memref_slice %arg6[%dma_wait3A_227, %dma_wait3A_228, %dma_wait3A_229] : memref<3x32x1024xf32, #tpu.memory_space<vmem>> -> memref<1x32x1024xf32, #tpu.memory_space<vmem>>
    %dma_wait3A_231 = tpu.memref_squeeze %dma_wait3A_230 : memref<1x32x1024xf32, #tpu.memory_space<vmem>> -> memref<32x1024xf32, #tpu.memory_space<vmem>>
    %dma_wait3A_232 = arith.constant 0 : i32
    %dma_wait3A_233 = tpu.memref_slice %arg2[%add3A_149, %dma_wait3A_232] : memref<8192x1024xf32, #tpu.memory_space<hbm>> -> memref<32x1024xf32, #tpu.memory_space<hbm>>
    %dma_wait3A_234 = arith.constant 0 : i32
    %dma_wait3A_235 = arith.constant 0 : i32
    %dma_wait3A_236 = tpu.memref_slice %arg6[%dma_wait3A_227, %dma_wait3A_234, %dma_wait3A_235] : memref<3x32x1024xf32, #tpu.memory_space<vmem>> -> memref<1x32x1024xf32, #tpu.memory_space<vmem>>
    %dma_wait3A_237 = tpu.memref_squeeze %dma_wait3A_236 : memref<1x32x1024xf32, #tpu.memory_space<vmem>> -> memref<32x1024xf32, #tpu.memory_space<vmem>>
    %dma_wait3A_238 = arith.constant 0 : i32
    %dma_wait3A_239 = tpu.memref_slice %arg2[%add3A_149, %dma_wait3A_238] : memref<8192x1024xf32, #tpu.memory_space<hbm>> -> memref<32x1024xf32, #tpu.memory_space<hbm>>
    tpu.wait_dma2 semaphore(%arg8 : memref<!tpu.dma_semaphore, #tpu.memory_space<semaphore_mem>>) src(%dma_wait3A_239 : memref<32x1024xf32, #tpu.memory_space<hbm>>) dst(%dma_wait3A_237 : memref<32x1024xf32, #tpu.memory_space<vmem>>)
    %dma_wait3A_240 = arith.constant 0 : i32
    %dma_wait3A_241 = arith.constant 3 : i32
    %dma_wait3A_242 = arith.constant 0 : i32
    %dma_wait3A_243 = arith.constant 0 : i32
    %dma_wait3A_244 = tpu.memref_slice %arg6[%dma_wait3A_240, %dma_wait3A_242, %dma_wait3A_243] : memref<3x32x1024xf32, #tpu.memory_space<vmem>> -> memref<1x32x1024xf32, #tpu.memory_space<vmem>>
    %dma_wait3A_245 = tpu.memref_squeeze %dma_wait3A_244 : memref<1x32x1024xf32, #tpu.memory_space<vmem>> -> memref<32x1024xf32, #tpu.memory_space<vmem>>
    %dma_wait3A_246 = arith.constant 0 : i32
    %dma_wait3A_247 = tpu.memref_slice %arg5[%dma_wait3A_241, %dma_wait3A_246] : memref<8x32xi32, #tpu.memory_space<vmem>> -> memref<1x32xi32, #tpu.memory_space<vmem>>
    %dma_wait3A_248 = tpu.memref_squeeze %dma_wait3A_247 : memref<1x32xi32, #tpu.memory_space<vmem>> -> memref<32xi32, #tpu.memory_space<vmem>>
    %dma_wait3A_249 = arith.constant 0 : i32
    %dma_wait3A_250 = arith.constant 0 : i32
    %dma_wait3A_251 = tpu.memref_slice %arg4[%dma_wait3A_249, %dma_wait3A_250] : memref<10240x1024xf32, #tpu.memory_space<hbm>> -> memref<10240x1024xf32, #tpu.memory_space<hbm>>
    tpu.wait_indirect_dma semaphore(%arg10 : memref<!tpu.dma_semaphore, #tpu.memory_space<semaphore_mem>>) src(%dma_wait3A_245 : memref<32x1024xf32, #tpu.memory_space<vmem>>) dst(%dma_wait3A_251 : memref<10240x1024xf32, #tpu.memory_space<hbm>>)
    %add3A_252 = arith.constant 192 : i32
    %add3A_253 = arith.addi %mul3A_2, %add3A_252 : i32
    %dma_start3A_254 = arith.constant 0 : i32
    %dma_start3A_255 = arith.constant 0 : i32
    %dma_start3A_256 = arith.constant 0 : i32
    %dma_start3A_257 = tpu.memref_slice %arg6[%dma_start3A_254, %dma_start3A_255, %dma_start3A_256] : memref<3x32x1024xf32, #tpu.memory_space<vmem>> -> memref<1x32x1024xf32, #tpu.memory_space<vmem>>
    %dma_start3A_258 = tpu.memref_squeeze %dma_start3A_257 : memref<1x32x1024xf32, #tpu.memory_space<vmem>> -> memref<32x1024xf32, #tpu.memory_space<vmem>>
    %dma_start3A_259 = arith.constant 0 : i32
    %dma_start3A_260 = tpu.memref_slice %arg2[%add3A_253, %dma_start3A_259] : memref<8192x1024xf32, #tpu.memory_space<hbm>> -> memref<32x1024xf32, #tpu.memory_space<hbm>>
    %dma_start3A_261 = arith.constant 0 : i32
    %dma_start3A_262 = arith.constant 0 : i32
    %dma_start3A_263 = tpu.memref_slice %arg6[%dma_start3A_254, %dma_start3A_261, %dma_start3A_262] : memref<3x32x1024xf32, #tpu.memory_space<vmem>> -> memref<1x32x1024xf32, #tpu.memory_space<vmem>>
    %dma_start3A_264 = tpu.memref_squeeze %dma_start3A_263 : memref<1x32x1024xf32, #tpu.memory_space<vmem>> -> memref<32x1024xf32, #tpu.memory_space<vmem>>
    %dma_start3A_265 = arith.constant 0 : i32
    %dma_start3A_266 = tpu.memref_slice %arg2[%add3A_253, %dma_start3A_265] : memref<8192x1024xf32, #tpu.memory_space<hbm>> -> memref<32x1024xf32, #tpu.memory_space<hbm>>
    tpu.enqueue_dma source(%dma_start3A_266 : memref<32x1024xf32, #tpu.memory_space<hbm>>) target(%dma_start3A_264 : memref<32x1024xf32, #tpu.memory_space<vmem>>) target_semaphore(%arg7 : memref<!tpu.dma_semaphore, #tpu.memory_space<semaphore_mem>>)
    %dma_start3A_267 = arith.constant 1 : i32
    %dma_start3A_268 = arith.constant 4 : i32
    %dma_start3A_269 = arith.constant 0 : i32
    %dma_start3A_270 = arith.constant 0 : i32
    %dma_start3A_271 = tpu.memref_slice %arg6[%dma_start3A_267, %dma_start3A_269, %dma_start3A_270] : memref<3x32x1024xf32, #tpu.memory_space<vmem>> -> memref<1x32x1024xf32, #tpu.memory_space<vmem>>
    %dma_start3A_272 = tpu.memref_squeeze %dma_start3A_271 : memref<1x32x1024xf32, #tpu.memory_space<vmem>> -> memref<32x1024xf32, #tpu.memory_space<vmem>>
    %dma_start3A_273 = arith.constant 0 : i32
    %dma_start3A_274 = tpu.memref_slice %arg5[%dma_start3A_268, %dma_start3A_273] : memref<8x32xi32, #tpu.memory_space<vmem>> -> memref<1x32xi32, #tpu.memory_space<vmem>>
    %dma_start3A_275 = tpu.memref_squeeze %dma_start3A_274 : memref<1x32xi32, #tpu.memory_space<vmem>> -> memref<32xi32, #tpu.memory_space<vmem>>
    %dma_start3A_276 = arith.constant 0 : i32
    %dma_start3A_277 = arith.constant 0 : i32
    %dma_start3A_278 = tpu.memref_slice %arg4[%dma_start3A_276, %dma_start3A_277] : memref<10240x1024xf32, #tpu.memory_space<hbm>> -> memref<10240x1024xf32, #tpu.memory_space<hbm>>
    tpu.enqueue_indirect_dma source(%dma_start3A_272 : memref<32x1024xf32, #tpu.memory_space<vmem>>) target(%dma_start3A_278 : memref<10240x1024xf32, #tpu.memory_space<hbm>>) offsets(%dma_start3A_275 : memref<32xi32, #tpu.memory_space<vmem>>) semaphore(%arg10 : memref<!tpu.dma_semaphore, #tpu.memory_space<semaphore_mem>>)
    %dma_wait3A_279 = arith.constant 2 : i32
    %dma_wait3A_280 = arith.constant 0 : i32
    %dma_wait3A_281 = arith.constant 0 : i32
    %dma_wait3A_282 = tpu.memref_slice %arg6[%dma_wait3A_279, %dma_wait3A_280, %dma_wait3A_281] : memref<3x32x1024xf32, #tpu.memory_space<vmem>> -> memref<1x32x1024xf32, #tpu.memory_space<vmem>>
    %dma_wait3A_283 = tpu.memref_squeeze %dma_wait3A_282 : memref<1x32x1024xf32, #tpu.memory_space<vmem>> -> memref<32x1024xf32, #tpu.memory_space<vmem>>
    %dma_wait3A_284 = arith.constant 0 : i32
    %dma_wait3A_285 = tpu.memref_slice %arg2[%add3A_201, %dma_wait3A_284] : memref<8192x1024xf32, #tpu.memory_space<hbm>> -> memref<32x1024xf32, #tpu.memory_space<hbm>>
    %dma_wait3A_286 = arith.constant 0 : i32
    %dma_wait3A_287 = arith.constant 0 : i32
    %dma_wait3A_288 = tpu.memref_slice %arg6[%dma_wait3A_279, %dma_wait3A_286, %dma_wait3A_287] : memref<3x32x1024xf32, #tpu.memory_space<vmem>> -> memref<1x32x1024xf32, #tpu.memory_space<vmem>>
    %dma_wait3A_289 = tpu.memref_squeeze %dma_wait3A_288 : memref<1x32x1024xf32, #tpu.memory_space<vmem>> -> memref<32x1024xf32, #tpu.memory_space<vmem>>
    %dma_wait3A_290 = arith.constant 0 : i32
    %dma_wait3A_291 = tpu.memref_slice %arg2[%add3A_201, %dma_wait3A_290] : memref<8192x1024xf32, #tpu.memory_space<hbm>> -> memref<32x1024xf32, #tpu.memory_space<hbm>>
    tpu.wait_dma2 semaphore(%arg9 : memref<!tpu.dma_semaphore, #tpu.memory_space<semaphore_mem>>) src(%dma_wait3A_291 : memref<32x1024xf32, #tpu.memory_space<hbm>>) dst(%dma_wait3A_289 : memref<32x1024xf32, #tpu.memory_space<vmem>>)
    %dma_wait3A_292 = arith.constant 1 : i32
    %dma_wait3A_293 = arith.constant 4 : i32
    %dma_wait3A_294 = arith.constant 0 : i32
    %dma_wait3A_295 = arith.constant 0 : i32
    %dma_wait3A_296 = tpu.memref_slice %arg6[%dma_wait3A_292, %dma_wait3A_294, %dma_wait3A_295] : memref<3x32x1024xf32, #tpu.memory_space<vmem>> -> memref<1x32x1024xf32, #tpu.memory_space<vmem>>
    %dma_wait3A_297 = tpu.memref_squeeze %dma_wait3A_296 : memref<1x32x1024xf32, #tpu.memory_space<vmem>> -> memref<32x1024xf32, #tpu.memory_space<vmem>>
    %dma_wait3A_298 = arith.constant 0 : i32
    %dma_wait3A_299 = tpu.memref_slice %arg5[%dma_wait3A_293, %dma_wait3A_298] : memref<8x32xi32, #tpu.memory_space<vmem>> -> memref<1x32xi32, #tpu.memory_space<vmem>>
    %dma_wait3A_300 = tpu.memref_squeeze %dma_wait3A_299 : memref<1x32xi32, #tpu.memory_space<vmem>> -> memref<32xi32, #tpu.memory_space<vmem>>
    %dma_wait3A_301 = arith.constant 0 : i32
    %dma_wait3A_302 = arith.constant 0 : i32
    %dma_wait3A_303 = tpu.memref_slice %arg4[%dma_wait3A_301, %dma_wait3A_302] : memref<10240x1024xf32, #tpu.memory_space<hbm>> -> memref<10240x1024xf32, #tpu.memory_space<hbm>>
    tpu.wait_indirect_dma semaphore(%arg10 : memref<!tpu.dma_semaphore, #tpu.memory_space<semaphore_mem>>) src(%dma_wait3A_297 : memref<32x1024xf32, #tpu.memory_space<vmem>>) dst(%dma_wait3A_303 : memref<10240x1024xf32, #tpu.memory_space<hbm>>)
    %add3A_304 = arith.constant 224 : i32
    %add3A_305 = arith.addi %mul3A_2, %add3A_304 : i32
    %dma_start3A_306 = arith.constant 1 : i32
    %dma_start3A_307 = arith.constant 0 : i32
    %dma_start3A_308 = arith.constant 0 : i32
    %dma_start3A_309 = tpu.memref_slice %arg6[%dma_start3A_306, %dma_start3A_307, %dma_start3A_308] : memref<3x32x1024xf32, #tpu.memory_space<vmem>> -> memref<1x32x1024xf32, #tpu.memory_space<vmem>>
    %dma_start3A_310 = tpu.memref_squeeze %dma_start3A_309 : memref<1x32x1024xf32, #tpu.memory_space<vmem>> -> memref<32x1024xf32, #tpu.memory_space<vmem>>
    %dma_start3A_311 = arith.constant 0 : i32
    %dma_start3A_312 = tpu.memref_slice %arg2[%add3A_305, %dma_start3A_311] : memref<8192x1024xf32, #tpu.memory_space<hbm>> -> memref<32x1024xf32, #tpu.memory_space<hbm>>
    %dma_start3A_313 = arith.constant 0 : i32
    %dma_start3A_314 = arith.constant 0 : i32
    %dma_start3A_315 = tpu.memref_slice %arg6[%dma_start3A_306, %dma_start3A_313, %dma_start3A_314] : memref<3x32x1024xf32, #tpu.memory_space<vmem>> -> memref<1x32x1024xf32, #tpu.memory_space<vmem>>
    %dma_start3A_316 = tpu.memref_squeeze %dma_start3A_315 : memref<1x32x1024xf32, #tpu.memory_space<vmem>> -> memref<32x1024xf32, #tpu.memory_space<vmem>>
    %dma_start3A_317 = arith.constant 0 : i32
    %dma_start3A_318 = tpu.memref_slice %arg2[%add3A_305, %dma_start3A_317] : memref<8192x1024xf32, #tpu.memory_space<hbm>> -> memref<32x1024xf32, #tpu.memory_space<hbm>>
    tpu.enqueue_dma source(%dma_start3A_318 : memref<32x1024xf32, #tpu.memory_space<hbm>>) target(%dma_start3A_316 : memref<32x1024xf32, #tpu.memory_space<vmem>>) target_semaphore(%arg8 : memref<!tpu.dma_semaphore, #tpu.memory_space<semaphore_mem>>)
    %dma_start3A_319 = arith.constant 2 : i32
    %dma_start3A_320 = arith.constant 5 : i32
    %dma_start3A_321 = arith.constant 0 : i32
    %dma_start3A_322 = arith.constant 0 : i32
    %dma_start3A_323 = tpu.memref_slice %arg6[%dma_start3A_319, %dma_start3A_321, %dma_start3A_322] : memref<3x32x1024xf32, #tpu.memory_space<vmem>> -> memref<1x32x1024xf32, #tpu.memory_space<vmem>>
    %dma_start3A_324 = tpu.memref_squeeze %dma_start3A_323 : memref<1x32x1024xf32, #tpu.memory_space<vmem>> -> memref<32x1024xf32, #tpu.memory_space<vmem>>
    %dma_start3A_325 = arith.constant 0 : i32
    %dma_start3A_326 = tpu.memref_slice %arg5[%dma_start3A_320, %dma_start3A_325] : memref<8x32xi32, #tpu.memory_space<vmem>> -> memref<1x32xi32, #tpu.memory_space<vmem>>
    %dma_start3A_327 = tpu.memref_squeeze %dma_start3A_326 : memref<1x32xi32, #tpu.memory_space<vmem>> -> memref<32xi32, #tpu.memory_space<vmem>>
    %dma_start3A_328 = arith.constant 0 : i32
    %dma_start3A_329 = arith.constant 0 : i32
    %dma_start3A_330 = tpu.memref_slice %arg4[%dma_start3A_328, %dma_start3A_329] : memref<10240x1024xf32, #tpu.memory_space<hbm>> -> memref<10240x1024xf32, #tpu.memory_space<hbm>>
    tpu.enqueue_indirect_dma source(%dma_start3A_324 : memref<32x1024xf32, #tpu.memory_space<vmem>>) target(%dma_start3A_330 : memref<10240x1024xf32, #tpu.memory_space<hbm>>) offsets(%dma_start3A_327 : memref<32xi32, #tpu.memory_space<vmem>>) semaphore(%arg10 : memref<!tpu.dma_semaphore, #tpu.memory_space<semaphore_mem>>)
    %dma_wait3A_331 = arith.constant 0 : i32
    %dma_wait3A_332 = arith.constant 0 : i32
    %dma_wait3A_333 = arith.constant 0 : i32
    %dma_wait3A_334 = tpu.memref_slice %arg6[%dma_wait3A_331, %dma_wait3A_332, %dma_wait3A_333] : memref<3x32x1024xf32, #tpu.memory_space<vmem>> -> memref<1x32x1024xf32, #tpu.memory_space<vmem>>
    %dma_wait3A_335 = tpu.memref_squeeze %dma_wait3A_334 : memref<1x32x1024xf32, #tpu.memory_space<vmem>> -> memref<32x1024xf32, #tpu.memory_space<vmem>>
    %dma_wait3A_336 = arith.constant 0 : i32
    %dma_wait3A_337 = tpu.memref_slice %arg2[%add3A_253, %dma_wait3A_336] : memref<8192x1024xf32, #tpu.memory_space<hbm>> -> memref<32x1024xf32, #tpu.memory_space<hbm>>
    %dma_wait3A_338 = arith.constant 0 : i32
    %dma_wait3A_339 = arith.constant 0 : i32
    %dma_wait3A_340 = tpu.memref_slice %arg6[%dma_wait3A_331, %dma_wait3A_338, %dma_wait3A_339] : memref<3x32x1024xf32, #tpu.memory_space<vmem>> -> memref<1x32x1024xf32, #tpu.memory_space<vmem>>
    %dma_wait3A_341 = tpu.memref_squeeze %dma_wait3A_340 : memref<1x32x1024xf32, #tpu.memory_space<vmem>> -> memref<32x1024xf32, #tpu.memory_space<vmem>>
    %dma_wait3A_342 = arith.constant 0 : i32
    %dma_wait3A_343 = tpu.memref_slice %arg2[%add3A_253, %dma_wait3A_342] : memref<8192x1024xf32, #tpu.memory_space<hbm>> -> memref<32x1024xf32, #tpu.memory_space<hbm>>
    tpu.wait_dma2 semaphore(%arg7 : memref<!tpu.dma_semaphore, #tpu.memory_space<semaphore_mem>>) src(%dma_wait3A_343 : memref<32x1024xf32, #tpu.memory_space<hbm>>) dst(%dma_wait3A_341 : memref<32x1024xf32, #tpu.memory_space<vmem>>)
    %dma_start3A_344 = arith.constant 0 : i32
    %dma_start3A_345 = arith.constant 6 : i32
    %dma_start3A_346 = arith.constant 0 : i32
    %dma_start3A_347 = arith.constant 0 : i32
    %dma_start3A_348 = tpu.memref_slice %arg6[%dma_start3A_344, %dma_start3A_346, %dma_start3A_347] : memref<3x32x1024xf32, #tpu.memory_space<vmem>> -> memref<1x32x1024xf32, #tpu.memory_space<vmem>>
    %dma_start3A_349 = tpu.memref_squeeze %dma_start3A_348 : memref<1x32x1024xf32, #tpu.memory_space<vmem>> -> memref<32x1024xf32, #tpu.memory_space<vmem>>
    %dma_start3A_350 = arith.constant 0 : i32
    %dma_start3A_351 = tpu.memref_slice %arg5[%dma_start3A_345, %dma_start3A_350] : memref<8x32xi32, #tpu.memory_space<vmem>> -> memref<1x32xi32, #tpu.memory_space<vmem>>
    %dma_start3A_352 = tpu.memref_squeeze %dma_start3A_351 : memref<1x32xi32, #tpu.memory_space<vmem>> -> memref<32xi32, #tpu.memory_space<vmem>>
    %dma_start3A_353 = arith.constant 0 : i32
    %dma_start3A_354 = arith.constant 0 : i32
    %dma_start3A_355 = tpu.memref_slice %arg4[%dma_start3A_353, %dma_start3A_354] : memref<10240x1024xf32, #tpu.memory_space<hbm>> -> memref<10240x1024xf32, #tpu.memory_space<hbm>>
    tpu.enqueue_indirect_dma source(%dma_start3A_349 : memref<32x1024xf32, #tpu.memory_space<vmem>>) target(%dma_start3A_355 : memref<10240x1024xf32, #tpu.memory_space<hbm>>) offsets(%dma_start3A_352 : memref<32xi32, #tpu.memory_space<vmem>>) semaphore(%arg10 : memref<!tpu.dma_semaphore, #tpu.memory_space<semaphore_mem>>)
    %dma_wait3A_356 = arith.constant 1 : i32
    %dma_wait3A_357 = arith.constant 0 : i32
    %dma_wait3A_358 = arith.constant 0 : i32
    %dma_wait3A_359 = tpu.memref_slice %arg6[%dma_wait3A_356, %dma_wait3A_357, %dma_wait3A_358] : memref<3x32x1024xf32, #tpu.memory_space<vmem>> -> memref<1x32x1024xf32, #tpu.memory_space<vmem>>
    %dma_wait3A_360 = tpu.memref_squeeze %dma_wait3A_359 : memref<1x32x1024xf32, #tpu.memory_space<vmem>> -> memref<32x1024xf32, #tpu.memory_space<vmem>>
    %dma_wait3A_361 = arith.constant 0 : i32
    %dma_wait3A_362 = tpu.memref_slice %arg2[%add3A_305, %dma_wait3A_361] : memref<8192x1024xf32, #tpu.memory_space<hbm>> -> memref<32x1024xf32, #tpu.memory_space<hbm>>
    %dma_wait3A_363 = arith.constant 0 : i32
    %dma_wait3A_364 = arith.constant 0 : i32
    %dma_wait3A_365 = tpu.memref_slice %arg6[%dma_wait3A_356, %dma_wait3A_363, %dma_wait3A_364] : memref<3x32x1024xf32, #tpu.memory_space<vmem>> -> memref<1x32x1024xf32, #tpu.memory_space<vmem>>
    %dma_wait3A_366 = tpu.memref_squeeze %dma_wait3A_365 : memref<1x32x1024xf32, #tpu.memory_space<vmem>> -> memref<32x1024xf32, #tpu.memory_space<vmem>>
    %dma_wait3A_367 = arith.constant 0 : i32
    %dma_wait3A_368 = tpu.memref_slice %arg2[%add3A_305, %dma_wait3A_367] : memref<8192x1024xf32, #tpu.memory_space<hbm>> -> memref<32x1024xf32, #tpu.memory_space<hbm>>
    tpu.wait_dma2 semaphore(%arg8 : memref<!tpu.dma_semaphore, #tpu.memory_space<semaphore_mem>>) src(%dma_wait3A_368 : memref<32x1024xf32, #tpu.memory_space<hbm>>) dst(%dma_wait3A_366 : memref<32x1024xf32, #tpu.memory_space<vmem>>)
    %dma_start3A_369 = arith.constant 1 : i32
    %dma_start3A_370 = arith.constant 7 : i32
    %dma_start3A_371 = arith.constant 0 : i32
    %dma_start3A_372 = arith.constant 0 : i32
    %dma_start3A_373 = tpu.memref_slice %arg6[%dma_start3A_369, %dma_start3A_371, %dma_start3A_372] : memref<3x32x1024xf32, #tpu.memory_space<vmem>> -> memref<1x32x1024xf32, #tpu.memory_space<vmem>>
    %dma_start3A_374 = tpu.memref_squeeze %dma_start3A_373 : memref<1x32x1024xf32, #tpu.memory_space<vmem>> -> memref<32x1024xf32, #tpu.memory_space<vmem>>
    %dma_start3A_375 = arith.constant 0 : i32
    %dma_start3A_376 = tpu.memref_slice %arg5[%dma_start3A_370, %dma_start3A_375] : memref<8x32xi32, #tpu.memory_space<vmem>> -> memref<1x32xi32, #tpu.memory_space<vmem>>
    %dma_start3A_377 = tpu.memref_squeeze %dma_start3A_376 : memref<1x32xi32, #tpu.memory_space<vmem>> -> memref<32xi32, #tpu.memory_space<vmem>>
    %dma_start3A_378 = arith.constant 0 : i32
    %dma_start3A_379 = arith.constant 0 : i32
    %dma_start3A_380 = tpu.memref_slice %arg4[%dma_start3A_378, %dma_start3A_379] : memref<10240x1024xf32, #tpu.memory_space<hbm>> -> memref<10240x1024xf32, #tpu.memory_space<hbm>>
    tpu.enqueue_indirect_dma source(%dma_start3A_374 : memref<32x1024xf32, #tpu.memory_space<vmem>>) target(%dma_start3A_380 : memref<10240x1024xf32, #tpu.memory_space<hbm>>) offsets(%dma_start3A_377 : memref<32xi32, #tpu.memory_space<vmem>>) semaphore(%arg10 : memref<!tpu.dma_semaphore, #tpu.memory_space<semaphore_mem>>)
    %dma_wait3A_381 = arith.constant 2 : i32
    %dma_wait3A_382 = arith.constant 5 : i32
    %dma_wait3A_383 = arith.constant 0 : i32
    %dma_wait3A_384 = arith.constant 0 : i32
    %dma_wait3A_385 = tpu.memref_slice %arg6[%dma_wait3A_381, %dma_wait3A_383, %dma_wait3A_384] : memref<3x32x1024xf32, #tpu.memory_space<vmem>> -> memref<1x32x1024xf32, #tpu.memory_space<vmem>>
    %dma_wait3A_386 = tpu.memref_squeeze %dma_wait3A_385 : memref<1x32x1024xf32, #tpu.memory_space<vmem>> -> memref<32x1024xf32, #tpu.memory_space<vmem>>
    %dma_wait3A_387 = arith.constant 0 : i32
    %dma_wait3A_388 = tpu.memref_slice %arg5[%dma_wait3A_382, %dma_wait3A_387] : memref<8x32xi32, #tpu.memory_space<vmem>> -> memref<1x32xi32, #tpu.memory_space<vmem>>
    %dma_wait3A_389 = tpu.memref_squeeze %dma_wait3A_388 : memref<1x32xi32, #tpu.memory_space<vmem>> -> memref<32xi32, #tpu.memory_space<vmem>>
    %dma_wait3A_390 = arith.constant 0 : i32
    %dma_wait3A_391 = arith.constant 0 : i32
    %dma_wait3A_392 = tpu.memref_slice %arg4[%dma_wait3A_390, %dma_wait3A_391] : memref<10240x1024xf32, #tpu.memory_space<hbm>> -> memref<10240x1024xf32, #tpu.memory_space<hbm>>
    tpu.wait_indirect_dma semaphore(%arg10 : memref<!tpu.dma_semaphore, #tpu.memory_space<semaphore_mem>>) src(%dma_wait3A_386 : memref<32x1024xf32, #tpu.memory_space<vmem>>) dst(%dma_wait3A_392 : memref<10240x1024xf32, #tpu.memory_space<hbm>>)
    %dma_wait3A_393 = arith.constant 0 : i32
    %dma_wait3A_394 = arith.constant 6 : i32
    %dma_wait3A_395 = arith.constant 0 : i32
    %dma_wait3A_396 = arith.constant 0 : i32
    %dma_wait3A_397 = tpu.memref_slice %arg6[%dma_wait3A_393, %dma_wait3A_395, %dma_wait3A_396] : memref<3x32x1024xf32, #tpu.memory_space<vmem>> -> memref<1x32x1024xf32, #tpu.memory_space<vmem>>
    %dma_wait3A_398 = tpu.memref_squeeze %dma_wait3A_397 : memref<1x32x1024xf32, #tpu.memory_space<vmem>> -> memref<32x1024xf32, #tpu.memory_space<vmem>>
    %dma_wait3A_399 = arith.constant 0 : i32
    %dma_wait3A_400 = tpu.memref_slice %arg5[%dma_wait3A_394, %dma_wait3A_399] : memref<8x32xi32, #tpu.memory_space<vmem>> -> memref<1x32xi32, #tpu.memory_space<vmem>>
    %dma_wait3A_401 = tpu.memref_squeeze %dma_wait3A_400 : memref<1x32xi32, #tpu.memory_space<vmem>> -> memref<32xi32, #tpu.memory_space<vmem>>
    %dma_wait3A_402 = arith.constant 0 : i32
    %dma_wait3A_403 = arith.constant 0 : i32
    %dma_wait3A_404 = tpu.memref_slice %arg4[%dma_wait3A_402, %dma_wait3A_403] : memref<10240x1024xf32, #tpu.memory_space<hbm>> -> memref<10240x1024xf32, #tpu.memory_space<hbm>>
    tpu.wait_indirect_dma semaphore(%arg10 : memref<!tpu.dma_semaphore, #tpu.memory_space<semaphore_mem>>) src(%dma_wait3A_398 : memref<32x1024xf32, #tpu.memory_space<vmem>>) dst(%dma_wait3A_404 : memref<10240x1024xf32, #tpu.memory_space<hbm>>)
    %dma_wait3A_405 = arith.constant 1 : i32
    %dma_wait3A_406 = arith.constant 7 : i32
    %dma_wait3A_407 = arith.constant 0 : i32
    %dma_wait3A_408 = arith.constant 0 : i32
    %dma_wait3A_409 = tpu.memref_slice %arg6[%dma_wait3A_405, %dma_wait3A_407, %dma_wait3A_408] : memref<3x32x1024xf32, #tpu.memory_space<vmem>> -> memref<1x32x1024xf32, #tpu.memory_space<vmem>>
    %dma_wait3A_410 = tpu.memref_squeeze %dma_wait3A_409 : memref<1x32x1024xf32, #tpu.memory_space<vmem>> -> memref<32x1024xf32, #tpu.memory_space<vmem>>
    %dma_wait3A_411 = arith.constant 0 : i32
    %dma_wait3A_412 = tpu.memref_slice %arg5[%dma_wait3A_406, %dma_wait3A_411] : memref<8x32xi32, #tpu.memory_space<vmem>> -> memref<1x32xi32, #tpu.memory_space<vmem>>
    %dma_wait3A_413 = tpu.memref_squeeze %dma_wait3A_412 : memref<1x32xi32, #tpu.memory_space<vmem>> -> memref<32xi32, #tpu.memory_space<vmem>>
    %dma_wait3A_414 = arith.constant 0 : i32
    %dma_wait3A_415 = arith.constant 0 : i32
    %dma_wait3A_416 = tpu.memref_slice %arg4[%dma_wait3A_414, %dma_wait3A_415] : memref<10240x1024xf32, #tpu.memory_space<hbm>> -> memref<10240x1024xf32, #tpu.memory_space<hbm>>
    tpu.wait_indirect_dma semaphore(%arg10 : memref<!tpu.dma_semaphore, #tpu.memory_space<semaphore_mem>>) src(%dma_wait3A_410 : memref<32x1024xf32, #tpu.memory_space<vmem>>) dst(%dma_wait3A_416 : memref<10240x1024xf32, #tpu.memory_space<hbm>>)
    return
  }
}

#map = affine_map<(d0, d1) -> (0, 0)>
#map1 = affine_map<(d0, d1) -> (0)>
module attributes {stable_mosaic.version = 14 : i64} {
  func.func @pick(%arg0: i32, %arg1: i32, %arg2: memref<10240x128xf32, #tpu.memory_space<hbm>>, %arg3: memref<8192xi32, #tpu.memory_space<hbm>>, %arg4: memref<8192x128xf32, #tpu.memory_space<hbm>>, %arg5: memref<2x128xi32, #tpu.memory_space<vmem>>, %arg6: memref<2x128x128xf32, #tpu.memory_space<vmem>>, %arg7: memref<!tpu.dma_semaphore, #tpu.memory_space<semaphore_mem>>, %arg8: memref<!tpu.dma_semaphore, #tpu.memory_space<semaphore_mem>>, %arg9: memref<!tpu.dma_semaphore, #tpu.memory_space<semaphore_mem>>) attributes {dimension_semantics = [#tpu.dimension_semantics<core_parallel>, #tpu.dimension_semantics<subcore_parallel>], iteration_bounds = array<i64: 2, 16>, scalar_prefetch = 0 : i64, scratch_operands = 5 : i64, tpu.core_type = #tpu.core_type<sc_vector_subcore>, window_params = [{transform_indices = #map}, {transform_indices = #map1}, {transform_indices = #map}]} {
    %mul3A = arith.constant 2 : i32
    %mul3A_0 = arith.muli %arg1, %mul3A : i32
    %add3A = arith.addi %mul3A_0, %arg0 : i32
    %mul3A_1 = arith.constant 256 : i32
    %mul3A_2 = arith.muli %add3A, %mul3A_1 : i32
    %add3A_3 = arith.constant 0 : i32
    %add3A_4 = arith.addi %mul3A_2, %add3A_3 : i32
    %dma_start3A = arith.constant 0 : i32
    %dma_start3A_5 = arith.constant 0 : i32
    %dma_start3A_6 = tpu.memref_slice %arg5[%dma_start3A, %dma_start3A_5] : memref<2x128xi32, #tpu.memory_space<vmem>> -> memref<1x128xi32, #tpu.memory_space<vmem>>
    %dma_start3A_7 = tpu.memref_squeeze %dma_start3A_6 : memref<1x128xi32, #tpu.memory_space<vmem>> -> memref<128xi32, #tpu.memory_space<vmem>>
    %dma_start3A_8 = tpu.memref_slice %arg3[%add3A_4] : memref<8192xi32, #tpu.memory_space<hbm>> -> memref<128xi32, #tpu.memory_space<hbm>>
    %dma_start3A_9 = arith.constant 0 : i32
    %dma_start3A_10 = tpu.memref_slice %arg5[%dma_start3A, %dma_start3A_9] : memref<2x128xi32, #tpu.memory_space<vmem>> -> memref<1x128xi32, #tpu.memory_space<vmem>>
    %dma_start3A_11 = tpu.memref_squeeze %dma_start3A_10 : memref<1x128xi32, #tpu.memory_space<vmem>> -> memref<128xi32, #tpu.memory_space<vmem>>
    %dma_start3A_12 = tpu.memref_slice %arg3[%add3A_4] : memref<8192xi32, #tpu.memory_space<hbm>> -> memref<128xi32, #tpu.memory_space<hbm>>
    tpu.enqueue_dma source(%dma_start3A_12 : memref<128xi32, #tpu.memory_space<hbm>>) target(%dma_start3A_11 : memref<128xi32, #tpu.memory_space<vmem>>) target_semaphore(%arg7 : memref<!tpu.dma_semaphore, #tpu.memory_space<semaphore_mem>>)
    %add3A_13 = arith.constant 128 : i32
    %add3A_14 = arith.addi %mul3A_2, %add3A_13 : i32
    %dma_start3A_15 = arith.constant 1 : i32
    %dma_start3A_16 = arith.constant 0 : i32
    %dma_start3A_17 = tpu.memref_slice %arg5[%dma_start3A_15, %dma_start3A_16] : memref<2x128xi32, #tpu.memory_space<vmem>> -> memref<1x128xi32, #tpu.memory_space<vmem>>
    %dma_start3A_18 = tpu.memref_squeeze %dma_start3A_17 : memref<1x128xi32, #tpu.memory_space<vmem>> -> memref<128xi32, #tpu.memory_space<vmem>>
    %dma_start3A_19 = tpu.memref_slice %arg3[%add3A_14] : memref<8192xi32, #tpu.memory_space<hbm>> -> memref<128xi32, #tpu.memory_space<hbm>>
    %dma_start3A_20 = arith.constant 0 : i32
    %dma_start3A_21 = tpu.memref_slice %arg5[%dma_start3A_15, %dma_start3A_20] : memref<2x128xi32, #tpu.memory_space<vmem>> -> memref<1x128xi32, #tpu.memory_space<vmem>>
    %dma_start3A_22 = tpu.memref_squeeze %dma_start3A_21 : memref<1x128xi32, #tpu.memory_space<vmem>> -> memref<128xi32, #tpu.memory_space<vmem>>
    %dma_start3A_23 = tpu.memref_slice %arg3[%add3A_14] : memref<8192xi32, #tpu.memory_space<hbm>> -> memref<128xi32, #tpu.memory_space<hbm>>
    tpu.enqueue_dma source(%dma_start3A_23 : memref<128xi32, #tpu.memory_space<hbm>>) target(%dma_start3A_22 : memref<128xi32, #tpu.memory_space<vmem>>) target_semaphore(%arg7 : memref<!tpu.dma_semaphore, #tpu.memory_space<semaphore_mem>>)
    %dma_wait3A = arith.constant 0 : i32
    %dma_wait3A_24 = arith.constant 0 : i32
    %dma_wait3A_25 = tpu.memref_slice %arg5[%dma_wait3A, %dma_wait3A_24] : memref<2x128xi32, #tpu.memory_space<vmem>> -> memref<1x128xi32, #tpu.memory_space<vmem>>
    %dma_wait3A_26 = tpu.memref_squeeze %dma_wait3A_25 : memref<1x128xi32, #tpu.memory_space<vmem>> -> memref<128xi32, #tpu.memory_space<vmem>>
    %dma_wait3A_27 = tpu.memref_slice %arg3[%add3A_4] : memref<8192xi32, #tpu.memory_space<hbm>> -> memref<128xi32, #tpu.memory_space<hbm>>
    %dma_wait3A_28 = arith.constant 0 : i32
    %dma_wait3A_29 = tpu.memref_slice %arg5[%dma_wait3A, %dma_wait3A_28] : memref<2x128xi32, #tpu.memory_space<vmem>> -> memref<1x128xi32, #tpu.memory_space<vmem>>
    %dma_wait3A_30 = tpu.memref_squeeze %dma_wait3A_29 : memref<1x128xi32, #tpu.memory_space<vmem>> -> memref<128xi32, #tpu.memory_space<vmem>>
    %dma_wait3A_31 = tpu.memref_slice %arg3[%add3A_4] : memref<8192xi32, #tpu.memory_space<hbm>> -> memref<128xi32, #tpu.memory_space<hbm>>
    tpu.wait_dma2 semaphore(%arg7 : memref<!tpu.dma_semaphore, #tpu.memory_space<semaphore_mem>>) src(%dma_wait3A_31 : memref<128xi32, #tpu.memory_space<hbm>>) dst(%dma_wait3A_30 : memref<128xi32, #tpu.memory_space<vmem>>)
    %dma_start3A_32 = arith.constant 0 : i32
    %dma_start3A_33 = arith.constant 0 : i32
    %dma_start3A_34 = arith.constant 0 : i32
    %dma_start3A_35 = arith.constant 0 : i32
    %dma_start3A_36 = tpu.memref_slice %arg6[%dma_start3A_33, %dma_start3A_34, %dma_start3A_35] : memref<2x128x128xf32, #tpu.memory_space<vmem>> -> memref<1x128x128xf32, #tpu.memory_space<vmem>>
    %dma_start3A_37 = tpu.memref_squeeze %dma_start3A_36 : memref<1x128x128xf32, #tpu.memory_space<vmem>> -> memref<128x128xf32, #tpu.memory_space<vmem>>
    %dma_start3A_38 = arith.constant 0 : i32
    %dma_start3A_39 = tpu.memref_slice %arg5[%dma_start3A_32, %dma_start3A_38] : memref<2x128xi32, #tpu.memory_space<vmem>> -> memref<1x128xi32, #tpu.memory_space<vmem>>
    %dma_start3A_40 = tpu.memref_squeeze %dma_start3A_39 : memref<1x128xi32, #tpu.memory_space<vmem>> -> memref<128xi32, #tpu.memory_space<vmem>>
    %dma_start3A_41 = arith.constant 0 : i32
    %dma_start3A_42 = arith.constant 0 : i32
    %dma_start3A_43 = tpu.memref_slice %arg2[%dma_start3A_41, %dma_start3A_42] : memref<10240x128xf32, #tpu.memory_space<hbm>> -> memref<10240x128xf32, #tpu.memory_space<hbm>>
    tpu.enqueue_indirect_dma source(%dma_start3A_43 : memref<10240x128xf32, #tpu.memory_space<hbm>>) target(%dma_start3A_37 : memref<128x128xf32, #tpu.memory_space<vmem>>) offsets(%dma_start3A_40 : memref<128xi32, #tpu.memory_space<vmem>>) semaphore(%arg8 : memref<!tpu.dma_semaphore, #tpu.memory_space<semaphore_mem>>)
    %dma_wait3A_44 = arith.constant 1 : i32
    %dma_wait3A_45 = arith.constant 0 : i32
    %dma_wait3A_46 = tpu.memref_slice %arg5[%dma_wait3A_44, %dma_wait3A_45] : memref<2x128xi32, #tpu.memory_space<vmem>> -> memref<1x128xi32, #tpu.memory_space<vmem>>
    %dma_wait3A_47 = tpu.memref_squeeze %dma_wait3A_46 : memref<1x128xi32, #tpu.memory_space<vmem>> -> memref<128xi32, #tpu.memory_space<vmem>>
    %dma_wait3A_48 = tpu.memref_slice %arg3[%add3A_14] : memref<8192xi32, #tpu.memory_space<hbm>> -> memref<128xi32, #tpu.memory_space<hbm>>
    %dma_wait3A_49 = arith.constant 0 : i32
    %dma_wait3A_50 = tpu.memref_slice %arg5[%dma_wait3A_44, %dma_wait3A_49] : memref<2x128xi32, #tpu.memory_space<vmem>> -> memref<1x128xi32, #tpu.memory_space<vmem>>
    %dma_wait3A_51 = tpu.memref_squeeze %dma_wait3A_50 : memref<1x128xi32, #tpu.memory_space<vmem>> -> memref<128xi32, #tpu.memory_space<vmem>>
    %dma_wait3A_52 = tpu.memref_slice %arg3[%add3A_14] : memref<8192xi32, #tpu.memory_space<hbm>> -> memref<128xi32, #tpu.memory_space<hbm>>
    tpu.wait_dma2 semaphore(%arg7 : memref<!tpu.dma_semaphore, #tpu.memory_space<semaphore_mem>>) src(%dma_wait3A_52 : memref<128xi32, #tpu.memory_space<hbm>>) dst(%dma_wait3A_51 : memref<128xi32, #tpu.memory_space<vmem>>)
    %dma_start3A_53 = arith.constant 1 : i32
    %dma_start3A_54 = arith.constant 1 : i32
    %dma_start3A_55 = arith.constant 0 : i32
    %dma_start3A_56 = arith.constant 0 : i32
    %dma_start3A_57 = tpu.memref_slice %arg6[%dma_start3A_54, %dma_start3A_55, %dma_start3A_56] : memref<2x128x128xf32, #tpu.memory_space<vmem>> -> memref<1x128x128xf32, #tpu.memory_space<vmem>>
    %dma_start3A_58 = tpu.memref_squeeze %dma_start3A_57 : memref<1x128x128xf32, #tpu.memory_space<vmem>> -> memref<128x128xf32, #tpu.memory_space<vmem>>
    %dma_start3A_59 = arith.constant 0 : i32
    %dma_start3A_60 = tpu.memref_slice %arg5[%dma_start3A_53, %dma_start3A_59] : memref<2x128xi32, #tpu.memory_space<vmem>> -> memref<1x128xi32, #tpu.memory_space<vmem>>
    %dma_start3A_61 = tpu.memref_squeeze %dma_start3A_60 : memref<1x128xi32, #tpu.memory_space<vmem>> -> memref<128xi32, #tpu.memory_space<vmem>>
    %dma_start3A_62 = arith.constant 0 : i32
    %dma_start3A_63 = arith.constant 0 : i32
    %dma_start3A_64 = tpu.memref_slice %arg2[%dma_start3A_62, %dma_start3A_63] : memref<10240x128xf32, #tpu.memory_space<hbm>> -> memref<10240x128xf32, #tpu.memory_space<hbm>>
    tpu.enqueue_indirect_dma source(%dma_start3A_64 : memref<10240x128xf32, #tpu.memory_space<hbm>>) target(%dma_start3A_58 : memref<128x128xf32, #tpu.memory_space<vmem>>) offsets(%dma_start3A_61 : memref<128xi32, #tpu.memory_space<vmem>>) semaphore(%arg8 : memref<!tpu.dma_semaphore, #tpu.memory_space<semaphore_mem>>)
    %dma_wait3A_65 = arith.constant 0 : i32
    %dma_wait3A_66 = arith.constant 0 : i32
    %dma_wait3A_67 = arith.constant 0 : i32
    %dma_wait3A_68 = arith.constant 0 : i32
    %dma_wait3A_69 = tpu.memref_slice %arg6[%dma_wait3A_66, %dma_wait3A_67, %dma_wait3A_68] : memref<2x128x128xf32, #tpu.memory_space<vmem>> -> memref<1x128x128xf32, #tpu.memory_space<vmem>>
    %dma_wait3A_70 = tpu.memref_squeeze %dma_wait3A_69 : memref<1x128x128xf32, #tpu.memory_space<vmem>> -> memref<128x128xf32, #tpu.memory_space<vmem>>
    %dma_wait3A_71 = arith.constant 0 : i32
    %dma_wait3A_72 = tpu.memref_slice %arg5[%dma_wait3A_65, %dma_wait3A_71] : memref<2x128xi32, #tpu.memory_space<vmem>> -> memref<1x128xi32, #tpu.memory_space<vmem>>
    %dma_wait3A_73 = tpu.memref_squeeze %dma_wait3A_72 : memref<1x128xi32, #tpu.memory_space<vmem>> -> memref<128xi32, #tpu.memory_space<vmem>>
    %dma_wait3A_74 = arith.constant 0 : i32
    %dma_wait3A_75 = arith.constant 0 : i32
    %dma_wait3A_76 = tpu.memref_slice %arg2[%dma_wait3A_74, %dma_wait3A_75] : memref<10240x128xf32, #tpu.memory_space<hbm>> -> memref<10240x128xf32, #tpu.memory_space<hbm>>
    tpu.wait_indirect_dma semaphore(%arg8 : memref<!tpu.dma_semaphore, #tpu.memory_space<semaphore_mem>>) src(%dma_wait3A_76 : memref<10240x128xf32, #tpu.memory_space<hbm>>) dst(%dma_wait3A_70 : memref<128x128xf32, #tpu.memory_space<vmem>>)
    %add3A_77 = arith.constant 0 : i32
    %add3A_78 = arith.addi %mul3A_2, %add3A_77 : i32
    %dma_start3A_79 = arith.constant 0 : i32
    %dma_start3A_80 = arith.constant 0 : i32
    %dma_start3A_81 = arith.constant 0 : i32
    %dma_start3A_82 = tpu.memref_slice %arg6[%dma_start3A_79, %dma_start3A_80, %dma_start3A_81] : memref<2x128x128xf32, #tpu.memory_space<vmem>> -> memref<1x128x128xf32, #tpu.memory_space<vmem>>
    %dma_start3A_83 = tpu.memref_squeeze %dma_start3A_82 : memref<1x128x128xf32, #tpu.memory_space<vmem>> -> memref<128x128xf32, #tpu.memory_space<vmem>>
    %dma_start3A_84 = arith.constant 0 : i32
    %dma_start3A_85 = tpu.memref_slice %arg4[%add3A_78, %dma_start3A_84] : memref<8192x128xf32, #tpu.memory_space<hbm>> -> memref<128x128xf32, #tpu.memory_space<hbm>>
    %dma_start3A_86 = arith.constant 0 : i32
    %dma_start3A_87 = tpu.memref_slice %arg4[%add3A_78, %dma_start3A_86] : memref<8192x128xf32, #tpu.memory_space<hbm>> -> memref<128x128xf32, #tpu.memory_space<hbm>>
    %dma_start3A_88 = arith.constant 0 : i32
    %dma_start3A_89 = arith.constant 0 : i32
    %dma_start3A_90 = tpu.memref_slice %arg6[%dma_start3A_79, %dma_start3A_88, %dma_start3A_89] : memref<2x128x128xf32, #tpu.memory_space<vmem>> -> memref<1x128x128xf32, #tpu.memory_space<vmem>>
    %dma_start3A_91 = tpu.memref_squeeze %dma_start3A_90 : memref<1x128x128xf32, #tpu.memory_space<vmem>> -> memref<128x128xf32, #tpu.memory_space<vmem>>
    tpu.enqueue_dma source(%dma_start3A_91 : memref<128x128xf32, #tpu.memory_space<vmem>>) target(%dma_start3A_87 : memref<128x128xf32, #tpu.memory_space<hbm>>) target_semaphore(%arg9 : memref<!tpu.dma_semaphore, #tpu.memory_space<semaphore_mem>>)
    %dma_wait3A_92 = arith.constant 1 : i32
    %dma_wait3A_93 = arith.constant 1 : i32
    %dma_wait3A_94 = arith.constant 0 : i32
    %dma_wait3A_95 = arith.constant 0 : i32
    %dma_wait3A_96 = tpu.memref_slice %arg6[%dma_wait3A_93, %dma_wait3A_94, %dma_wait3A_95] : memref<2x128x128xf32, #tpu.memory_space<vmem>> -> memref<1x128x128xf32, #tpu.memory_space<vmem>>
    %dma_wait3A_97 = tpu.memref_squeeze %dma_wait3A_96 : memref<1x128x128xf32, #tpu.memory_space<vmem>> -> memref<128x128xf32, #tpu.memory_space<vmem>>
    %dma_wait3A_98 = arith.constant 0 : i32
    %dma_wait3A_99 = tpu.memref_slice %arg5[%dma_wait3A_92, %dma_wait3A_98] : memref<2x128xi32, #tpu.memory_space<vmem>> -> memref<1x128xi32, #tpu.memory_space<vmem>>
    %dma_wait3A_100 = tpu.memref_squeeze %dma_wait3A_99 : memref<1x128xi32, #tpu.memory_space<vmem>> -> memref<128xi32, #tpu.memory_space<vmem>>
    %dma_wait3A_101 = arith.constant 0 : i32
    %dma_wait3A_102 = arith.constant 0 : i32
    %dma_wait3A_103 = tpu.memref_slice %arg2[%dma_wait3A_101, %dma_wait3A_102] : memref<10240x128xf32, #tpu.memory_space<hbm>> -> memref<10240x128xf32, #tpu.memory_space<hbm>>
    tpu.wait_indirect_dma semaphore(%arg8 : memref<!tpu.dma_semaphore, #tpu.memory_space<semaphore_mem>>) src(%dma_wait3A_103 : memref<10240x128xf32, #tpu.memory_space<hbm>>) dst(%dma_wait3A_97 : memref<128x128xf32, #tpu.memory_space<vmem>>)
    %add3A_104 = arith.constant 128 : i32
    %add3A_105 = arith.addi %mul3A_2, %add3A_104 : i32
    %dma_start3A_106 = arith.constant 1 : i32
    %dma_start3A_107 = arith.constant 0 : i32
    %dma_start3A_108 = arith.constant 0 : i32
    %dma_start3A_109 = tpu.memref_slice %arg6[%dma_start3A_106, %dma_start3A_107, %dma_start3A_108] : memref<2x128x128xf32, #tpu.memory_space<vmem>> -> memref<1x128x128xf32, #tpu.memory_space<vmem>>
    %dma_start3A_110 = tpu.memref_squeeze %dma_start3A_109 : memref<1x128x128xf32, #tpu.memory_space<vmem>> -> memref<128x128xf32, #tpu.memory_space<vmem>>
    %dma_start3A_111 = arith.constant 0 : i32
    %dma_start3A_112 = tpu.memref_slice %arg4[%add3A_105, %dma_start3A_111] : memref<8192x128xf32, #tpu.memory_space<hbm>> -> memref<128x128xf32, #tpu.memory_space<hbm>>
    %dma_start3A_113 = arith.constant 0 : i32
    %dma_start3A_114 = tpu.memref_slice %arg4[%add3A_105, %dma_start3A_113] : memref<8192x128xf32, #tpu.memory_space<hbm>> -> memref<128x128xf32, #tpu.memory_space<hbm>>
    %dma_start3A_115 = arith.constant 0 : i32
    %dma_start3A_116 = arith.constant 0 : i32
    %dma_start3A_117 = tpu.memref_slice %arg6[%dma_start3A_106, %dma_start3A_115, %dma_start3A_116] : memref<2x128x128xf32, #tpu.memory_space<vmem>> -> memref<1x128x128xf32, #tpu.memory_space<vmem>>
    %dma_start3A_118 = tpu.memref_squeeze %dma_start3A_117 : memref<1x128x128xf32, #tpu.memory_space<vmem>> -> memref<128x128xf32, #tpu.memory_space<vmem>>
    tpu.enqueue_dma source(%dma_start3A_118 : memref<128x128xf32, #tpu.memory_space<vmem>>) target(%dma_start3A_114 : memref<128x128xf32, #tpu.memory_space<hbm>>) target_semaphore(%arg9 : memref<!tpu.dma_semaphore, #tpu.memory_space<semaphore_mem>>)
    %dma_wait3A_119 = arith.constant 0 : i32
    %dma_wait3A_120 = arith.constant 0 : i32
    %dma_wait3A_121 = arith.constant 0 : i32
    %dma_wait3A_122 = tpu.memref_slice %arg6[%dma_wait3A_119, %dma_wait3A_120, %dma_wait3A_121] : memref<2x128x128xf32, #tpu.memory_space<vmem>> -> memref<1x128x128xf32, #tpu.memory_space<vmem>>
    %dma_wait3A_123 = tpu.memref_squeeze %dma_wait3A_122 : memref<1x128x128xf32, #tpu.memory_space<vmem>> -> memref<128x128xf32, #tpu.memory_space<vmem>>
    %dma_wait3A_124 = arith.constant 0 : i32
    %dma_wait3A_125 = tpu.memref_slice %arg4[%add3A_78, %dma_wait3A_124] : memref<8192x128xf32, #tpu.memory_space<hbm>> -> memref<128x128xf32, #tpu.memory_space<hbm>>
    %dma_wait3A_126 = arith.constant 0 : i32
    %dma_wait3A_127 = tpu.memref_slice %arg4[%add3A_78, %dma_wait3A_126] : memref<8192x128xf32, #tpu.memory_space<hbm>> -> memref<128x128xf32, #tpu.memory_space<hbm>>
    %dma_wait3A_128 = arith.constant 0 : i32
    %dma_wait3A_129 = arith.constant 0 : i32
    %dma_wait3A_130 = tpu.memref_slice %arg6[%dma_wait3A_119, %dma_wait3A_128, %dma_wait3A_129] : memref<2x128x128xf32, #tpu.memory_space<vmem>> -> memref<1x128x128xf32, #tpu.memory_space<vmem>>
    %dma_wait3A_131 = tpu.memref_squeeze %dma_wait3A_130 : memref<1x128x128xf32, #tpu.memory_space<vmem>> -> memref<128x128xf32, #tpu.memory_space<vmem>>
    tpu.wait_dma2 semaphore(%arg9 : memref<!tpu.dma_semaphore, #tpu.memory_space<semaphore_mem>>) src(%dma_wait3A_131 : memref<128x128xf32, #tpu.memory_space<vmem>>) dst(%dma_wait3A_127 : memref<128x128xf32, #tpu.memory_space<hbm>>)
    %dma_wait3A_132 = arith.constant 1 : i32
    %dma_wait3A_133 = arith.constant 0 : i32
    %dma_wait3A_134 = arith.constant 0 : i32
    %dma_wait3A_135 = tpu.memref_slice %arg6[%dma_wait3A_132, %dma_wait3A_133, %dma_wait3A_134] : memref<2x128x128xf32, #tpu.memory_space<vmem>> -> memref<1x128x128xf32, #tpu.memory_space<vmem>>
    %dma_wait3A_136 = tpu.memref_squeeze %dma_wait3A_135 : memref<1x128x128xf32, #tpu.memory_space<vmem>> -> memref<128x128xf32, #tpu.memory_space<vmem>>
    %dma_wait3A_137 = arith.constant 0 : i32
    %dma_wait3A_138 = tpu.memref_slice %arg4[%add3A_105, %dma_wait3A_137] : memref<8192x128xf32, #tpu.memory_space<hbm>> -> memref<128x128xf32, #tpu.memory_space<hbm>>
    %dma_wait3A_139 = arith.constant 0 : i32
    %dma_wait3A_140 = tpu.memref_slice %arg4[%add3A_105, %dma_wait3A_139] : memref<8192x128xf32, #tpu.memory_space<hbm>> -> memref<128x128xf32, #tpu.memory_space<hbm>>
    %dma_wait3A_141 = arith.constant 0 : i32
    %dma_wait3A_142 = arith.constant 0 : i32
    %dma_wait3A_143 = tpu.memref_slice %arg6[%dma_wait3A_132, %dma_wait3A_141, %dma_wait3A_142] : memref<2x128x128xf32, #tpu.memory_space<vmem>> -> memref<1x128x128xf32, #tpu.memory_space<vmem>>
    %dma_wait3A_144 = tpu.memref_squeeze %dma_wait3A_143 : memref<1x128x128xf32, #tpu.memory_space<vmem>> -> memref<128x128xf32, #tpu.memory_space<vmem>>
    tpu.wait_dma2 semaphore(%arg9 : memref<!tpu.dma_semaphore, #tpu.memory_space<semaphore_mem>>) src(%dma_wait3A_144 : memref<128x128xf32, #tpu.memory_space<vmem>>) dst(%dma_wait3A_140 : memref<128x128xf32, #tpu.memory_space<hbm>>)
    return
  }
}

module attributes {stable_mosaic.version = 14 : i64} {
  func.func @body(%arg0: i32, %arg1: memref<40xi32, #tpu.memory_space<smem>>, %arg2: memref<256x1024xf32, #tpu.memory_space<vmem>>, %arg3: memref<1024x1024xf32, #tpu.memory_space<vmem>>, %arg4: memref<3x1024xf32, #tpu.memory_space<vmem>>, %arg5: memref<1x1024x512xf32, #tpu.memory_space<vmem>>, %arg6: memref<1x5x512xf32, #tpu.memory_space<vmem>>, %arg7: memref<256x128xf32, #tpu.memory_space<vmem>>) attributes {dimension_semantics = [#tpu.dimension_semantics<arbitrary>], iteration_bounds = array<i64: 40>, scalar_prefetch = 1 : i64, scratch_operands = 0 : i64, tpu.core_type = #tpu.core_type<tc>, window_params = [{transform_indices = @transform_0, window_bounds = array<i64: 256, 1024>}, {pipeline_mode = #tpu.pipeline_mode<synchronous>, transform_indices = @transform_1, window_bounds = array<i64: 1024, 1024>}, {pipeline_mode = #tpu.pipeline_mode<synchronous>, transform_indices = @transform_2, window_bounds = array<i64: 3, 1024>}, {transform_indices = @transform_3, window_bounds = array<i64: 1, 1024, 512>}, {transform_indices = @transform_4, window_bounds = array<i64: 1, 5, 512>}, {transform_indices = @transform_5, window_bounds = array<i64: 256, 128>}]} {
    %get3A = arith.constant 0 : index
    %get3A_0 = arith.constant 0 : index
    %get3A_1 = vector.load %arg4[%get3A, %get3A_0] : memref<3x1024xf32, #tpu.memory_space<vmem>>, vector<3x1024xf32>
    %get3A_2 = arith.constant 0 : index
    %get3A_3 = arith.constant 0 : index
    %get3A_4 = vector.load %arg2[%get3A_2, %get3A_3] : memref<256x1024xf32, #tpu.memory_space<vmem>>, vector<256x1024xf32>
    %get3A_5 = arith.constant 0 : index
    %get3A_6 = arith.constant 0 : index
    %get3A_7 = vector.load %arg3[%get3A_5, %get3A_6] : memref<1024x1024xf32, #tpu.memory_space<vmem>>, vector<1024x1024xf32>
    %dot_general3A = arith.constant dense<0.000000e+00> : vector<256x1024xf32>
    %dot_general3A_8 = tpu.matmul %get3A_4, %get3A_7, %dot_general3A {dimension_numbers = #tpu.dot_dimension_numbers<[1], [0], [0], [1], [0, 0, 1, 1], [], []>, transpose_lhs_hint = false} : vector<256x1024xf32>, vector<1024x1024xf32>, vector<256x1024xf32> -> vector<256x1024xf32>
    %slice3A = vector.extract_strided_slice %get3A_1 {offsets = [0, 0], sizes = [1, 1024], strides = [1, 1]} : vector<3x1024xf32> to vector<1x1024xf32>
    %add3A = vector.broadcast %slice3A : vector<1x1024xf32> to vector<256x1024xf32>
    %add3A_9 = arith.addf %dot_general3A_8, %add3A : vector<256x1024xf32>
    %max3A = arith.constant 0.000000e+00 : f32
    %max3A_10 = vector.broadcast %max3A : f32 to vector<256x1024xf32>
    %max3A_11 = arith.maximumf %add3A_9, %max3A_10 : vector<256x1024xf32>
    %slice3A_12 = vector.extract_strided_slice %get3A_1 {offsets = [1, 0], sizes = [1, 1024], strides = [1, 1]} : vector<3x1024xf32> to vector<1x1024xf32>
    %mul3A = arith.constant 0.999994993 : f32
    %mul3A_13 = vector.broadcast %mul3A : f32 to vector<1x1024xf32>
    %mul3A_14 = arith.mulf %mul3A_13, %slice3A_12 : vector<1x1024xf32>
    %mul3A_15 = vector.broadcast %mul3A_14 : vector<1x1024xf32> to vector<256x1024xf32>
    %mul3A_16 = arith.mulf %max3A_11, %mul3A_15 : vector<256x1024xf32>
    %slice3A_17 = vector.extract_strided_slice %get3A_1 {offsets = [2, 0], sizes = [1, 1024], strides = [1, 1]} : vector<3x1024xf32> to vector<1x1024xf32>
    %add3A_18 = vector.broadcast %slice3A_17 : vector<1x1024xf32> to vector<256x1024xf32>
    %add3A_19 = arith.addf %mul3A_16, %add3A_18 : vector<256x1024xf32>
    %convert_element_type3A = arith.truncf %add3A_19 : vector<256x1024xf32> to vector<256x1024xbf16>
    %get3A_20 = arith.constant 0 : index
    %get3A_21 = arith.constant 0 : index
    %get3A_22 = arith.constant 0 : index
    %get3A_23 = vector.load %arg5[%get3A_20, %get3A_21, %get3A_22] : memref<1x1024x512xf32, #tpu.memory_space<vmem>>, vector<1x1024x512xf32>
    %get3A_24 = vector.shape_cast %get3A_23 : vector<1x1024x512xf32> to vector<1024x512xf32>
    %dot_general3A_25 = arith.constant dense<0.000000e+00> : vector<256x512xf32>
    %dot_general3A_26 = tpu.matmul %convert_element_type3A, %get3A_24, %dot_general3A_25 {dimension_numbers = #tpu.dot_dimension_numbers<[1], [0], [0], [1], [0, 0, 1, 1], [], []>, transpose_lhs_hint = false} : vector<256x1024xbf16>, vector<1024x512xf32>, vector<256x512xf32> -> vector<256x512xf32>
    %get3A_27 = arith.constant 0 : index
    %get3A_28 = arith.constant 0 : index
    %get3A_29 = arith.constant 0 : index
    %get3A_30 = vector.load %arg6[%get3A_27, %get3A_28, %get3A_29] : memref<1x5x512xf32, #tpu.memory_space<vmem>>, vector<1x5x512xf32>
    %get3A_31 = vector.shape_cast %get3A_30 : vector<1x5x512xf32> to vector<5x512xf32>
    %slice3A_32 = vector.extract_strided_slice %get3A_31 {offsets = [0, 0], sizes = [1, 512], strides = [1, 1]} : vector<5x512xf32> to vector<1x512xf32>
    %add3A_33 = vector.broadcast %slice3A_32 : vector<1x512xf32> to vector<256x512xf32>
    %add3A_34 = arith.addf %dot_general3A_26, %add3A_33 : vector<256x512xf32>
    %max3A_35 = arith.constant 0.000000e+00 : f32
    %max3A_36 = vector.broadcast %max3A_35 : f32 to vector<256x512xf32>
    %max3A_37 = arith.maximumf %add3A_34, %max3A_36 : vector<256x512xf32>
    %slice3A_38 = vector.extract_strided_slice %get3A_31 {offsets = [1, 0], sizes = [1, 512], strides = [1, 1]} : vector<5x512xf32> to vector<1x512xf32>
    %mul3A_39 = arith.constant 0.999994993 : f32
    %mul3A_40 = vector.broadcast %mul3A_39 : f32 to vector<1x512xf32>
    %mul3A_41 = arith.mulf %mul3A_40, %slice3A_38 : vector<1x512xf32>
    %mul3A_42 = vector.broadcast %mul3A_41 : vector<1x512xf32> to vector<256x512xf32>
    %mul3A_43 = arith.mulf %max3A_37, %mul3A_42 : vector<256x512xf32>
    %slice3A_44 = vector.extract_strided_slice %get3A_31 {offsets = [2, 0], sizes = [1, 512], strides = [1, 1]} : vector<5x512xf32> to vector<1x512xf32>
    %add3A_45 = vector.broadcast %slice3A_44 : vector<1x512xf32> to vector<256x512xf32>
    %add3A_46 = arith.addf %mul3A_43, %add3A_45 : vector<256x512xf32>
    %slice3A_47 = vector.extract_strided_slice %get3A_31 {offsets = [3, 0], sizes = [1, 512], strides = [1, 1]} : vector<5x512xf32> to vector<1x512xf32>
    %mul3A_48 = vector.broadcast %slice3A_47 : vector<1x512xf32> to vector<256x512xf32>
    %mul3A_49 = arith.mulf %add3A_46, %mul3A_48 : vector<256x512xf32>
    %reduce_sum3A = arith.constant dense<0.000000e+00> : vector<256xf32>
    %reduce_sum3A_50 = vector.multi_reduction <add>, %mul3A_49, %reduce_sum3A [1] : vector<256x512xf32> to vector<256xf32>
    %broadcast_in_dim3A = vector.shape_cast %reduce_sum3A_50 : vector<256xf32> to vector<256x1xf32>
    %slice3A_51 = vector.extract_strided_slice %get3A_31 {offsets = [4, 0], sizes = [1, 1], strides = [1, 1]} : vector<5x512xf32> to vector<1x1xf32>
    %add3A_52 = vector.broadcast %slice3A_51 : vector<1x1xf32> to vector<256x1xf32>
    %add3A_53 = arith.addf %broadcast_in_dim3A, %add3A_52 : vector<256x1xf32>
    %broadcast_in_dim3A_54 = vector.shape_cast %add3A_53 : vector<256x1xf32> to vector<256x1xf32>
    %broadcast_in_dim3A_55 = vector.broadcast %broadcast_in_dim3A_54 : vector<256x1xf32> to vector<256x128xf32>
    %swap3A = arith.constant 0 : index
    %swap3A_56 = arith.constant 0 : index
    %swap3A_57 = vector.load %arg7[%swap3A, %swap3A_56] : memref<256x128xf32, #tpu.memory_space<vmem>>, vector<256x128xf32>
    tpu.vector_store %arg7[%swap3A, %swap3A_56], %broadcast_in_dim3A_55 {strides = array<i32>} : memref<256x128xf32, #tpu.memory_space<vmem>>, vector<256x128xf32>,
    return
  }
  func.func @transform_0(%arg0: i32, %arg1: memref<40xi32, #tpu.memory_space<smem>>) -> (i32, i32) {
    %c0_i32 = arith.constant 0 : i32
    %c0_i32_0 = arith.constant 0 : i32
    return %arg0, %c0_i32 : i32, i32
  }
  func.func @transform_1(%arg0: i32, %arg1: memref<40xi32, #tpu.memory_space<smem>>) -> (i32, i32) {
    %c0_i32 = arith.constant 0 : i32
    %c0_i32_0 = arith.constant 0 : i32
    %c0_i32_1 = arith.constant 0 : i32
    return %c0_i32, %c0_i32_0 : i32, i32
  }
  func.func @transform_2(%arg0: i32, %arg1: memref<40xi32, #tpu.memory_space<smem>>) -> (i32, i32) {
    %c0_i32 = arith.constant 0 : i32
    %c0_i32_0 = arith.constant 0 : i32
    %c0_i32_1 = arith.constant 0 : i32
    return %c0_i32, %c0_i32_0 : i32, i32
  }
  func.func @transform_3(%arg0: i32, %arg1: memref<40xi32, #tpu.memory_space<smem>>) -> (i32, i32, i32) {
    %get3A = arith.index_cast %arg0 : i32 to index
    %get3A_0 = memref.load %arg1[%get3A] : memref<40xi32, #tpu.memory_space<smem>>
    %c0_i32 = arith.constant 0 : i32
    %c0_i32_1 = arith.constant 0 : i32
    %c0_i32_2 = arith.constant 0 : i32
    return %get3A_0, %c0_i32, %c0_i32_1 : i32, i32, i32
  }
  func.func @transform_4(%arg0: i32, %arg1: memref<40xi32, #tpu.memory_space<smem>>) -> (i32, i32, i32) {
    %get3A = arith.index_cast %arg0 : i32 to index
    %get3A_0 = memref.load %arg1[%get3A] : memref<40xi32, #tpu.memory_space<smem>>
    %c0_i32 = arith.constant 0 : i32
    %c0_i32_1 = arith.constant 0 : i32
    %c0_i32_2 = arith.constant 0 : i32
    return %get3A_0, %c0_i32, %c0_i32_1 : i32, i32, i32
  }
  func.func @transform_5(%arg0: i32, %arg1: memref<40xi32, #tpu.memory_space<smem>>) -> (i32, i32) {
    %c0_i32 = arith.constant 0 : i32
    %c0_i32_0 = arith.constant 0 : i32
    return %arg0, %c0_i32 : i32, i32
  }
}

</mosaic_0001>

<sc_bundles>
// kernel: kernel.5.cloned.1.call-start
scs
__scs_entry_jumppad:
0x0: {  	(pc) =	sbr.rel $0x88, $3  }
0x1: {  	(tag) =	ssettag $0x0;
	lr =	simm.s32 $0x1  }
0x2: {  	[smem:$0x3F95] =	sst lr;
	_ =	strace $0xD0000000  }
0x3: {  	_ = 	snop  }
0x4: {  	_ = 	snop  }
0x5: {  	_ = 	snop  }
0x6: {  	_ = 	snop  }
0x7: {  	_ = 	snop  }
__scs_overlays_trampoline_lowered:
0x8: {  	[smem:$0x3FA4] =	sst s0  }
0x9: {  	[smem:$0x3FA5] =	sst s1  }
0xa: {  	[smem:$0x3FA6] =	sst s2  }
0xb: {  	[smem:$0x3FA7] =	sst s3  }
0xc: {  	[smem:$0x3FA8] =	sst s4  }
0xd: {  	[smem:$0x3FA9] =	sst s5  }
0xe: {  	[smem:$0x3FAA] =	sst s6  }
0xf: {  	[smem:$0x3FAB] =	sst s7  }
0x10: {  	[smem:$0x3FAC] =	sst s8  }
0x11: {  	[smem:$0x3FAD] =	sst s9;
	s0 =	simm.s32 @!p0 $0x0  }
0x12: {  	s1 =	sld [smem:$0x3F93];
	s0 =	simm.s32 @p0 $0x1  }
0x13: {  	[smem:$0x3FAE] =	sst s0;
	s0 =	simm.s32 @!p1 $0x0  }
0x14: {  	s2 =	sld [smem:$0x3F92];
	s0 =	simm.s32 @p1 $0x1  }
0x15: {  	[smem:$0x3FAF] =	sst s0;
	s0 =	simm.s32 @!p2 $0x0  }
0x16: {  	s3 =	sld [smem:$0x3FDB];
	s0 =	simm.s32 @p2 $0x1  }
0x17: {  	s4 =	simm.s32 $0x1BF5;
	[smem:$0x3FB1] =	sst s0  }
0x18: {  	s0 =	sld [smem:$0x3F94];
	_ =	swait.ge [sflag:s4], $0x0  }
0x19: {  	s7 =	sld [smem:$0x3F95]  }
0x1a: {  	s8 =	sadd.s32 $0xFFFFE003, lr  }
0x1b: {  	s9 =	sadd.s32 $0xFFFFFEF7, lr;
	s5 =	simm.s32 $0xFFFFFFFF;
	p2 =	slt.u32 s8, $0xFFFFF086  }
0x1c: {  	p1 =	slt.u32 s9, $0xF7A;
	s5 =	simm.s32 @!p2 $0x0  }
0x1d: {  	s5 =	simm.s32 @p1 $0x1;
	p0 =	seq.s32 s7, s2  }
0x1e: {  	s7 =	smul.u32 @!p0 $0xF7A, s2;
	p2 =	seq.s32 @!p0 s5, $0x0  }
0x1f: {  	s9 =	smul.u32 $0xF7A, s1;
	s8 =	simm.s32 @!p0 $0x1BF5;
	p2 =	por !p2, p0  }
0x20: {  	[sflag:s8] =	ssyncset.s32 @!p0 $0xFFFFF086;
	s6 =	sadd.s32 @!p0 s3, s7;
	s7 =	simm.s32 @!p0 $0x108  }
0x21: {  	s3 =	sadd.s32 s3, s9;
	s6 =	sadd.s32 @!p0 $0x88, s6;
	s7 =	simm.s32 @p2 $0x1082  }
0x22: {  	[simem:s7], [sflag:s8] =	dma.local @!p0 [hbm:s6], $0xF7A  }
0x23: {  	s9 =	sor.u32 $0xD0000000, s2;
	s6 =	simm.s32 $0x108;
	_ =	swait.ge @!p0 [sflag:s8], $0x0  }
0x24: {  	s3 =	sadd.s32 $0x88, s3;
	s6 =	simm.s32 @!p1 $0x1082;
	[sflag:s4] =	ssyncset.s32 $0xFFFFF086  }
0x25: {  	[simem:s6], [sflag:s4] =	dma.local [hbm:s3], $0xF7A  }
0x26: {  	[smem:$0x3F95] =	sst s1;
	(tag) =	ssettag s2;
	_ =	strace s9  }
0x27: {  	s1 =	sld [smem:$0x3FA5]  }
0x28: {  	s2 =	sld [smem:$0x3FA6]  }
0x29: {  	s4 =	sld [smem:$0x3FA8]  }
0x2a: {  	p0 =	seq.s32 s5, $0x0;
	s5 =	sld [smem:$0x3FA9]  }
0x2b: {  	s6 =	sld [smem:$0x3FAA]  }
0x2c: {  	s7 =	sld [smem:$0x3FAB]  }
0x2d: {  	s3 =	simm.s32 $0x108;
	s8 =	sld [smem:$0x3FAC]  }
0x2e: {  	s3 =	simm.s32 @!p0 $0x1082;
	s9 =	sld [smem:$0x3FAD]  }
0x2f: {  	lr =	sadd.s32 s0, s3;
	s0 =	sld [smem:$0x3FA4]  }
0x30: {  	s3 =	sld [smem:$0x3FA7]  }
0x31: {  	[smem:$0x3FB0] =	sst s10  }
0x32: {  	s10 =	sld [smem:$0x3FAE];
	_ =	sdelay $0x3  }
0x33: {  	p0 =	seq.s32 s10, $0x1;
	s10 =	sld [smem:$0x3FB0];
	_ =	sdelay $0x3  }
0x34: {  	[smem:$0x3FB0] =	sst s10  }
0x35: {  	s10 =	sld [smem:$0x3FAF];
	_ =	sdelay $0x3  }
0x36: {  	p1 =	seq.s32 s10, $0x1;
	s10 =	sld [smem:$0x3FB0];
	_ =	sdelay $0x3  }
0x37: {  	[smem:$0x3FB0] =	sst s10  }
0x38: {  	s10 =	sld [smem:$0x3FB1]  }
0x39: {  	_ = 	snop;
	(pc) =	sbr.ind lr, $3  }
0x3a: {  	_ = 	snop  }
0x3b: {  	_ = 	snop  }
0x3c: {  	p2 =	seq.s32 s10, $0x1;
	s10 =	sld [smem:$0x3FB0]  }
0x3d: {  	_ =	shalt  }
0x3e: {  	_ =	shalt  }
0x3f: {  	_ =	shalt  }
0x40: {  	_ =	shalt  }
0x41: {  	_ =	shalt  }
0x42: {  	_ =	shalt  }
0x43: {  	_ =	shalt  }
0x44: {  	_ =	shalt  }
0x45: {  	_ =	shalt  }
0x46: {  	_ =	shalt  }
0x47: {  	_ =	shalt  }
0x48: {  	_ =	shalt  }
0x49: {  	_ =	shalt  }
0x4a: {  	_ =	shalt  }
0x4b: {  	_ =	shalt  }
0x4c: {  	_ =	shalt  }
0x4d: {  	_ =	shalt  }
0x4e: {  	_ =	shalt  }
0x4f: {  	_ =	shalt  }
0x50: {  	_ =	shalt  }
0x51: {  	_ =	shalt  }
0x52: {  	_ =	shalt  }
0x53: {  	_ =	shalt  }
0x54: {  	_ =	shalt  }
0x55: {  	_ =	shalt  }
0x56: {  	_ =	shalt  }
0x57: {  	_ =	shalt  }
0x58: {  	_ =	shalt  }
0x59: {  	_ =	shalt  }
0x5a: {  	_ =	shalt  }
0x5b: {  	_ =	shalt  }
0x5c: {  	_ =	shalt  }
0x5d: {  	_ =	shalt  }
0x5e: {  	_ =	shalt  }
0x5f: {  	_ =	shalt  }
0x60: {  	_ =	shalt  }
0x61: {  	_ =	shalt  }
0x62: {  	_ =	shalt  }
0x63: {  	_ =	shalt  }
0x64: {  	_ =	shalt  }
0x65: {  	_ =	shalt  }
0x66: {  	_ =	shalt  }
0x67: {  	_ =	shalt  }
0x68: {  	_ =	shalt  }
0x69: {  	_ =	shalt  }
0x6a: {  	_ =	shalt  }
0x6b: {  	_ =	shalt  }
0x6c: {  	_ =	shalt  }
0x6d: {  	_ =	shalt  }
0x6e: {  	_ =	shalt  }
0x6f: {  	_ =	shalt  }
0x70: {  	_ =	shalt  }
0x71: {  	_ =	shalt  }
0x72: {  	_ =	shalt  }
0x73: {  	_ =	shalt  }
0x74: {  	_ =	shalt  }
0x75: {  	_ =	shalt  }
0x76: {  	_ =	shalt  }
0x77: {  	_ =	shalt  }
0x78: {  	_ =	shalt  }
0x79: {  	_ =	shalt  }
0x7a: {  	_ =	shalt  }
0x7b: {  	_ =	shalt  }
0x7c: {  	_ =	shalt  }
0x7d: {  	_ =	shalt  }
0x7e: {  	_ =	shalt  }
0x7f: {  	_ =	shalt  }
0x80: {  	_ =	shalt  }
0x81: {  	_ =	shalt  }
0x82: {  	_ =	shalt  }
0x83: {  	_ =	shalt  }
0x84: {  	_ =	shalt  }
0x85: {  	_ =	shalt  }
0x86: {  	_ =	shalt  }
0x87: {  	_ =	shalt  }
.Lfunc_end0:
.L_simem_size_0:
called_computation_lowered:
.L_overlay_start_0:
0x88: {  	s2 =	sld [smem:$0x3FD9]  }
0x89: {  	s3 =	sld [smem:$0x3FFE];
	_ =	sdelay $0x1  }
0x8a: {  	s1 =	srdreg.scid  }
0x8b: {  	s0 =	sand.u32 $0x1, s1  }
0x8c: {  	s17 =	sshll.u32 s0, $0xA;
	s2 =	sadd.s32 s3, s2  }
0x8d: {  	s2 =	sadd.s32 s2, s17  }
0x8e: {  	[smem:$0x3FBC] =	sst s2  }
0x8f: {  	_ = 	snop  }
0x90: {  	s2 =	sld [smem:$0x3FC9];
	(tm) =	ssettm $0x1  }
0x91: {  	s18 =	sld [smem:$0x3FFB];
	_ =	sdelay $0x3  }
0x92: {  	_ =	strace s18  }
0x93: {  	s3 =	sld [smem:$0x3FFC];
	_ =	sdelay $0x3  }
0x94: {  	_ =	strace s3  }
0x95: {  	s3 =	sld [smem:$0x3FFD];
	_ =	sdelay $0x3  }
0x96: {  	_ =	strace s3  }
0x97: {  	_ =	strace $0x8FFFFFFF  }
0x98: {  	s19 =	sld [smem:$0x3FDB];
	_ =	sdelay $0x1  }
0x99: {  	s4 =	simm.s32 $_scs_section_size  }
0x9a: {  	s5 =	simm.s32 $_size__tile_overlayer_lowered;
	s6 =	simm.s32 $_tile_overlayer_lowered  }
0x9b: {  	s22 =	simm.s32 $0x1BFF;
	s21 =	sshll.u32 s6, $0x1;
	s3 =	sadd.s32 s4, s19  }
0x9c: {  	s7 =	simm.s32 $0x0;
	s20 =	sshll.u32 s5, $0x1;
	s5 =	sadd.s32 s21, s3  }
0x9d: {  	[timem:s7], [sflag:s22] =	dma.local [hbm:s5], s20  }
0x9e: {  	_ =	swait.ge [sflag:s22], s20  }
0x9f: {  	s4 =	ssub.s32 $0x0, s20;
	[sflag:s22] =	ssyncset.done $0x0  }
0xa0: {  	[sflag:s22] =	ssyncadd.s32 s4;
	_ =	sdelay $0x1  }
0xa1: {  	s23 =	simm.s32 $0x1B8B  }
0xa2: {  	_ =	swait.ge [sflag:s23], $0x1  }
0xa3: {  	[sflag:s23] =	ssyncset.done $0x0  }
0xa4: {  	s25 =	simm.s32 $0x1B8E;
	s24 =	sld [smem:$0x3FFE];
	[sflag:s23] =	ssyncadd.s32 $0xFFFFFFFF  }
0xa5: {  	s26 =	simm.s32 $execute0_lowered;
	[smem:$0x3FD2] =	sst s25  }
0xa6: {  	s5 =	sshll.u32 s26, $0x1;
	_ =	strace $0x80000046;
	[dreg:$0x1] =	wrdreg $0xFFFFFFFF  }
0xa7: {  	s28 =	simm.s32 $_size_execute0_lowered;
	s3 =	sadd.s32 s3, s5;
	[dreg:$0x0] =	wrdreg $0x0  }
0xa8: {  	s5 =	sshll.u32 s28, $0x1;
	[dreg:$0x2] =	wrdreg s3  }
0xa9: {  	[dreg:$0x3] =	wrdreg s5  }
0xaa: {  	[dreg:$0x4] =	wrdreg $0xC0  }
0xab: {  	_ =	task [dreg:s7], $0x5FFFF  }
0xac: {  	[dreg:$0x1] =	wrdreg $0xFFFFFFFF  }
0xad: {  	[dreg:$0x0] =	wrdreg $0x60  }
0xae: {  	[dreg:$0x2] =	wrdreg s2  }
0xaf: {  	[dreg:$0x3] =	wrdreg s24  }
0xb0: {  	[dreg:$0x4] =	wrdreg $0x9  }
0xb1: {  	_ =	task.clear_ibuf [dreg:s7], $0x5FFFF;
	_ =	strace $0x90000046  }
0xb2: {  	s29 =	simm.s32 $0x9;
	_ =	strace $0x80000048  }
0xb3: {  	_ =	swait.ge [sflag:s29], $0x1  }
0xb4: {  	[sflag:s29] =	ssyncadd.s32 $0xFFFFFFFF  }
0xb5: {  	_ =	strace $0x90000048  }
0xb6: {  	_ =	sfence  }
0xb7: {  	s30 =	sld [smem:$0x0];
	_ =	sdelay $0x2  }
0xb8: {  	s31 =	sshll.u32 s1, $0xD;
	s1 =	sshrl.u32 s1, $0x2  }
0xb9: {  	s3 =	sand.u32 $0x4000, s31;
	s1 =	sadd.s32 s1, s30  }
0xba: {  	s0 =	sor.u32 s3, s0;
	s1 =	sshll.u32 s1, $0x11  }
0xbb: {  	s0 =	sor.u32 s1, s0  }
0xbc: {  	s0 =	sadd.s32 $0x8F2B, s0  }
0xbd: {  	[sflag:s0] =	ssyncadd.remote.s32 $0x1  }
0xbe: {  	_ =	sfence.sel $0xFFFF  }
0xbf: {  	[dreg:$0x0] =	wrdreg $0xFFFFFFFF;
	(pc) =	sbr.abs _section_cstart, $3  }
0xc0: {  	[dreg:$0x1] =	wrdreg $0xFFFFFFFF  }
0xc1: {  	_ =	task.clear_ibuf [dreg:s7], $0x2FFFF;
	_ =	strace $0x9FFFFFFF  }
0xc2: {  	(tm) =	ssettm $0x7FFFFFFF  }
0xc3: {  	_ =	shalt  }
tec
execute0_lowered:
.L_overlay_start_1:
0x0: {  	(tag) =	ssettag $0x1  }
0x1: {  	s0 =	srdreg.scid;
	s1 =	rddreg [dreg:$0x0]  }
0x2: {  	s2 =	stileid.u32;
	s3 =	rddreg [dreg:$0x1];
	s12 =	simm.s32 $0x1  }
0x3: {  	s30 =	simm.s32 $0x2;
	s31 =	simm.s32 $0x4;
	s10 =	simm.s32 $0x400  }
0x4: {  	s9 =	simm.s32 $0x10400;
	s29 =	simm.s32 $0xAC00;
	s11 =	simm.s32 $0x11C00  }
0x5: {  	s13 =	simm.s32 $0x12400;
	s14 =	simm.s32 $0x12C00;
	s15 =	simm.s32 $0x13400  }
0x6: {  	s16 =	simm.s32 $0x13C00;
	s17 =	simm.s32 $0x14400;
	s18 =	simm.s32 $0x14C00  }
0x7: {  	s19 =	simm.s32 $0x15400;
	s0 =	sand.u32 $0x1, s0;
	s2 =	sshll.u32 s2, $0x1  }
0x8: {  	s7 =	sadd.s32 $0x1300, s3;
	s4 =	sor.u32 s0, s2;
	s2 =	simm.s32 $0x0  }
0x9: {  	s0 =	ssub.s32 $0x2, s0;
	s5 =	sshll.u32 s4, $0xF;
	s4 =	sshll.u32 s4, $0x7  }
0xa: {  	[smem:$0x7FF] =	sst s2;
	s24 =	sshrl.u32 s0, $0x1;
	s20 =	sadd.s32 s3, s4  }
0xb: {  	s6 =	sadd.s32 s1, s5;
	_ =	strace $0x80000047;
	[dreg:$0x4] =	wrdreg s20  }
0xc: {  	s4 =	sadd.s32 $0x1000, s3;
	s1 =	sadd.s32 $0x1000, s6;
	[dreg:$0xb] =	wrdreg s6  }
0xd: {  	s0 =	ssub.s32 s0, s24;
	s21 =	sadd.s32 $0x2000, s6;
	[dreg:$0x3] =	wrdreg s1  }
0xe: {  	s5 =	sadd.s32 $0x1100, s3;
	s22 =	sadd.s32 $0x3000, s6;
	[dreg:$0x5] =	wrdreg s21  }
0xf: {  	s24 =	simm.s32 $0x17C00;
	s23 =	sadd.s32 $0x4000, s6;
	[dreg:$0x6] =	wrdreg s22  }
0x10: {  	s25 =	sadd.s32 $0x5000, s6;
	s26 =	sadd.s32 $0x6000, s6;
	[dreg:$0x7] =	wrdreg s23  }
0x11: {  	s28 =	sadd.s32 $0x7000, s6;
	s6 =	sadd.s32 $0x1200, s3;
	[dreg:$0x8] =	wrdreg s25  }
0x12: {  	v2 =	vlaneseq.u32;
	s8 =	smax.u32 s0, $0x1;
	s3 =	simm.s32 $0x11400;
	[dreg:$0x9] =	wrdreg s26  }
0x13: {  	vm0 =	vmmov $0xffff;
	v1 =	vshrl.u32 v2, $0x3;
	s20 =	simm.s32 $0x15C00;
	[dreg:$0xa] =	wrdreg s28;
	s25 =	simm.s32 $0x3  }
0x14: {  	v0 =	vand.u32 $0x7, v2;
	v2 =	vor.u32 $0x8, v2;
	v1 =	vmul.u32 $0x8, v1;
	s21 =	simm.s32 $0x16400;
	s22 =	simm.s32 $0x16C00;
	s23 =	simm.s32 $0x17400  }
.LBB2_1:
0x15: {  	s28 =	rddreg [dreg:$0xb]  }
0x16: {  	[tilespmem:s10], [sflag:$0x1] =	stream.linear.gather [hbm4b:s28+s2], $0x8000, $0x38;
	[tilespmem:$0x18400] =	vst v63  }
0x17: {  	s26 =	rddreg [dreg:$0x3];
	s0 =	simm.s32 $0x8400  }
0x18: {  	[tilespmem:s0], [sflag:$0x2] =	stream.linear.gather [hbm4b:s26+s2], $0x8000, $0x38;
	[tilespmem:$0x18400] =	vst v63  }
0x19: {  	s1 =	rddreg [dreg:$0x4];
	s28 =	simm.s32 $0x5  }
0x1a: {  	[tilespmem:s2], [sflag:$0x5] =	stream.linear.gather [hbm4b:s1+s2], $0x400, $0x38;
	[tilespmem:$0x18400] =	vst v63  }
0x1b: {  	_ =	swait.ge [sflag:s28], $0x400  }
0x1c: {  	[sflag:s28] =	ssyncset.done $0x0  }
0x1d: {  	[sflag:s28] =	ssyncadd.s32 $0xFFFFFC00  }
0x1e: {  	_ =	swait.ge [sflag:s12], $0x8000  }
0x1f: {  	[sflag:s12] =	ssyncset.done $0x0  }
0x20: {  	s1 =	rddreg [dreg:$0x5];
	[sflag:s12] =	ssyncadd.s32 $0xFFFF8000  }
0x21: {  	[tilespmem:s9], [sflag:$0x3] =	stream.linear.gather [hbm4b:s1+s2], $0x8000, $0x38;
	[tilespmem:$0x18400] =	vst v63  }
0x22: {  	v3 =	vld [tilespmem:$0x0];
	_ =	sdelay $0x4  }
0x23: {  	v4 =	vshll.u32 v3, $0x3  }
0x24: {  	v3 =	vand.u32 $0x7, v3;
	v4 =	vand.u32 $0xFFFFFFC0, v4  }
0x25: {  	v3 =	vor.u32 v3, v4  }
0x26: {  	v4 =	vperm.xlane v3, v0;
	_ =	sdelay $0x1  }
0x27: {  	v4 =	vadd.s32 v1, v4;
	_ =	sdelay $0x4  }
0x28: {  	[hbm4b:s4+s2] =	stream.indirect_vreg.scatter [tilespmem:s10], [sflag:$0x4], $0x80, v4, vm0, $0xb8;
	[tilespmem:$0x18400] =	vst v63  }
0x29: {  	s1 =	simm.s32 $0xC00;
	v3 =	vperm.xlane v3, v2  }
0x2a: {  	[hbm4b:s5+s2] =	stream.indirect_vreg.scatter [tilespmem:s1], [sflag:$0x4], $0x80, v4, vm0, $0xb8;
	[tilespmem:$0x18400] =	vst v63  }
0x2b: {  	s26 =	simm.s32 $0x1400;
	v3 =	vadd.s32 v1, v3  }
0x2c: {  	[hbm4b:s6+s2] =	stream.indirect_vreg.scatter [tilespmem:s26], [sflag:$0x4], $0x80, v4, vm0, $0xb8;
	[tilespmem:$0x18400] =	vst v63  }
0x2d: {  	s28 =	simm.s32 $0x1C00  }
0x2e: {  	[hbm4b:s7+s2] =	stream.indirect_vreg.scatter [tilespmem:s28], [sflag:$0x4], $0x80, v4, vm0, $0xb8;
	[tilespmem:$0x18400] =	vst v63  }
0x2f: {  	s26 =	simm.s32 $0x2400  }
0x30: {  	[hbm4b:s4+s2] =	stream.indirect_vreg.scatter [tilespmem:s26], [sflag:$0x4], $0x80, v3, vm0, $0xb8;
	[tilespmem:$0x18400] =	vst v63  }
0x31: {  	s28 =	simm.s32 $0x2C00  }
0x32: {  	[hbm4b:s5+s2] =	stream.indirect_vreg.scatter [tilespmem:s28], [sflag:$0x4], $0x80, v3, vm0, $0xb8;
	[tilespmem:$0x18400] =	vst v63  }
0x33: {  	s26 =	simm.s32 $0x3400  }
0x34: {  	[hbm4b:s6+s2] =	stream.indirect_vreg.scatter [tilespmem:s26], [sflag:$0x4], $0x80, v3, vm0, $0xb8;
	[tilespmem:$0x18400] =	vst v63  }
0x35: {  	s28 =	simm.s32 $0x3C00  }
0x36: {  	[hbm4b:s7+s2] =	stream.indirect_vreg.scatter [tilespmem:s28], [sflag:$0x4], $0x80, v3, vm0, $0xb8;
	[tilespmem:$0x18400] =	vst v63  }
0x37: {  	v3 =	vld [tilespmem:$0x10];
	_ =	sdelay $0x4  }
0x38: {  	v49 =	vshll.u32 v3, $0x3  }
0x39: {  	v3 =	vand.u32 $0x7, v3;
	v4 =	vand.u32 $0xFFFFFFC0, v49  }
0x3a: {  	v3 =	vor.u32 v3, v4  }
0x3b: {  	v4 =	vperm.xlane v3, v0;
	_ =	sdelay $0x1  }
0x3c: {  	v4 =	vadd.s32 v1, v4;
	_ =	sdelay $0x3  }
0x3d: {  	s26 =	simm.s32 $0x4400  }
0x3e: {  	[hbm4b:s4+s2] =	stream.indirect_vreg.scatter [tilespmem:s26], [sflag:$0x4], $0x80, v4, vm0, $0xb8;
	[tilespmem:$0x18400] =	vst v63  }
0x3f: {  	s28 =	simm.s32 $0x4C00;
	v3 =	vperm.xlane v3, v2  }
0x40: {  	[hbm4b:s5+s2] =	stream.indirect_vreg.scatter [tilespmem:s28], [sflag:$0x4], $0x80, v4, vm0, $0xb8;
	[tilespmem:$0x18400] =	vst v63  }
0x41: {  	v3 =	vadd.s32 v1, v3;
	s26 =	simm.s32 $0x5400  }
0x42: {  	[hbm4b:s6+s2] =	stream.indirect_vreg.scatter [tilespmem:s26], [sflag:$0x4], $0x80, v4, vm0, $0xb8;
	[tilespmem:$0x18400] =	vst v63  }
0x43: {  	s28 =	simm.s32 $0x5C00  }
0x44: {  	[hbm4b:s7+s2] =	stream.indirect_vreg.scatter [tilespmem:s28], [sflag:$0x4], $0x80, v4, vm0, $0xb8;
	[tilespmem:$0x18400] =	vst v63  }
0x45: {  	s26 =	simm.s32 $0x6400  }
0x46: {  	[hbm4b:s4+s2] =	stream.indirect_vreg.scatter [tilespmem:s26], [sflag:$0x4], $0x80, v3, vm0, $0xb8;
	[tilespmem:$0x18400] =	vst v63  }
0x47: {  	s28 =	simm.s32 $0x6C00  }
0x48: {  	[hbm4b:s5+s2] =	stream.indirect_vreg.scatter [tilespmem:s28], [sflag:$0x4], $0x80, v3, vm0, $0xb8;
	[tilespmem:$0x18400] =	vst v63  }
0x49: {  	s26 =	simm.s32 $0x7400  }
0x4a: {  	[hbm4b:s6+s2] =	stream.indirect_vreg.scatter [tilespmem:s26], [sflag:$0x4], $0x80, v3, vm0, $0xb8;
	[tilespmem:$0x18400] =	vst v63  }
0x4b: {  	s28 =	simm.s32 $0x7C00  }
0x4c: {  	[hbm4b:s7+s2] =	stream.indirect_vreg.scatter [tilespmem:s28], [sflag:$0x4], $0x80, v3, vm0, $0xb8;
	[tilespmem:$0x18400] =	vst v63  }
0x4d: {  	_ =	swait.ge [sflag:s30], $0x8000  }
0x4e: {  	[sflag:s30] =	ssyncset.done $0x0  }
0x4f: {  	[sflag:s30] =	ssyncadd.s32 $0xFFFF8000  }
0x50: {  	_ =	swait.ge [sflag:s31], $0x8000  }
0x51: {  	[sflag:s31] =	ssyncset.done $0x0  }
0x52: {  	s1 =	rddreg [dreg:$0x6];
	[sflag:s31] =	ssyncadd.s32 $0xFFFF8000  }
0x53: {  	[tilespmem:s10], [sflag:$0x1] =	stream.linear.gather [hbm4b:s1+s2], $0x8000, $0x38;
	[tilespmem:$0x18400] =	vst v63  }
0x54: {  	v3 =	vld [tilespmem:$0x80];
	_ =	sdelay $0x4  }
0x55: {  	v50 =	vshll.u32 v3, $0x3  }
0x56: {  	v3 =	vand.u32 $0x7, v3;
	v4 =	vand.u32 $0xFFFFFFC0, v50  }
0x57: {  	v3 =	vor.u32 v3, v4  }
0x58: {  	v4 =	vperm.xlane v3, v0;
	_ =	sdelay $0x1  }
0x59: {  	v4 =	vadd.s32 v1, v4;
	_ =	sdelay $0x4  }
0x5a: {  	[hbm4b:s4+s2] =	stream.indirect_vreg.scatter [tilespmem:s0], [sflag:$0x4], $0x80, v4, vm0, $0xb8;
	[tilespmem:$0x18400] =	vst v63  }
0x5b: {  	s28 =	simm.s32 $0x8C00;
	v3 =	vperm.xlane v3, v2  }
0x5c: {  	[hbm4b:s5+s2] =	stream.indirect_vreg.scatter [tilespmem:s28], [sflag:$0x4], $0x80, v4, vm0, $0xb8;
	[tilespmem:$0x18400] =	vst v63  }
0x5d: {  	s26 =	simm.s32 $0x9400;
	v3 =	vadd.s32 v1, v3  }
0x5e: {  	[hbm4b:s6+s2] =	stream.indirect_vreg.scatter [tilespmem:s26], [sflag:$0x4], $0x80, v4, vm0, $0xb8;
	[tilespmem:$0x18400] =	vst v63  }
0x5f: {  	s28 =	simm.s32 $0x9C00  }
0x60: {  	[hbm4b:s7+s2] =	stream.indirect_vreg.scatter [tilespmem:s28], [sflag:$0x4], $0x80, v4, vm0, $0xb8;
	[tilespmem:$0x18400] =	vst v63  }
0x61: {  	s28 =	simm.s32 $0xA400  }
0x62: {  	[hbm4b:s4+s2] =	stream.indirect_vreg.scatter [tilespmem:s28], [sflag:$0x4], $0x80, v3, vm0, $0xb8;
	[tilespmem:$0x18400] =	vst v63  }
0x63: {  	_ = 	snop  }
0x64: {  	[hbm4b:s5+s2] =	stream.indirect_vreg.scatter [tilespmem:s29], [sflag:$0x4], $0x80, v3, vm0, $0xb8;
	[tilespmem:$0x18400] =	vst v63  }
0x65: {  	s26 =	simm.s32 $0xB400  }
0x66: {  	[hbm4b:s6+s2] =	stream.indirect_vreg.scatter [tilespmem:s26], [sflag:$0x4], $0x80, v3, vm0, $0xb8;
	[tilespmem:$0x18400] =	vst v63  }
0x67: {  	s26 =	simm.s32 $0xBC00  }
0x68: {  	[hbm4b:s7+s2] =	stream.indirect_vreg.scatter [tilespmem:s26], [sflag:$0x4], $0x80, v3, vm0, $0xb8;
	[tilespmem:$0x18400] =	vst v63  }
0x69: {  	v3 =	vld [tilespmem:$0x90];
	_ =	sdelay $0x4  }
0x6a: {  	v51 =	vshll.u32 v3, $0x3  }
0x6b: {  	v3 =	vand.u32 $0x7, v3;
	v4 =	vand.u32 $0xFFFFFFC0, v51  }
0x6c: {  	v3 =	vor.u32 v3, v4  }
0x6d: {  	v4 =	vperm.xlane v3, v0;
	_ =	sdelay $0x1  }
0x6e: {  	v4 =	vadd.s32 v1, v4;
	_ =	sdelay $0x3  }
0x6f: {  	s26 =	simm.s32 $0xC400  }
0x70: {  	[hbm4b:s4+s2] =	stream.indirect_vreg.scatter [tilespmem:s26], [sflag:$0x4], $0x80, v4, vm0, $0xb8;
	[tilespmem:$0x18400] =	vst v63  }
0x71: {  	v3 =	vperm.xlane v3, v2;
	s26 =	simm.s32 $0xCC00  }
0x72: {  	[hbm4b:s5+s2] =	stream.indirect_vreg.scatter [tilespmem:s26], [sflag:$0x4], $0x80, v4, vm0, $0xb8;
	[tilespmem:$0x18400] =	vst v63  }
0x73: {  	v3 =	vadd.s32 v1, v3;
	s26 =	simm.s32 $0xD400  }
0x74: {  	[hbm4b:s6+s2] =	stream.indirect_vreg.scatter [tilespmem:s26], [sflag:$0x4], $0x80, v4, vm0, $0xb8;
	[tilespmem:$0x18400] =	vst v63  }
0x75: {  	s26 =	simm.s32 $0xDC00  }
0x76: {  	[hbm4b:s7+s2] =	stream.indirect_vreg.scatter [tilespmem:s26], [sflag:$0x4], $0x80, v4, vm0, $0xb8;
	[tilespmem:$0x18400] =	vst v63  }
0x77: {  	s26 =	simm.s32 $0xE400  }
0x78: {  	[hbm4b:s4+s2] =	stream.indirect_vreg.scatter [tilespmem:s26], [sflag:$0x4], $0x80, v3, vm0, $0xb8;
	[tilespmem:$0x18400] =	vst v63  }
0x79: {  	s26 =	simm.s32 $0xEC00  }
0x7a: {  	[hbm4b:s5+s2] =	stream.indirect_vreg.scatter [tilespmem:s26], [sflag:$0x4], $0x80, v3, vm0, $0xb8;
	[tilespmem:$0x18400] =	vst v63  }
0x7b: {  	s26 =	simm.s32 $0xF400  }
0x7c: {  	[hbm4b:s6+s2] =	stream.indirect_vreg.scatter [tilespmem:s26], [sflag:$0x4], $0x80, v3, vm0, $0xb8;
	[tilespmem:$0x18400] =	vst v63  }
0x7d: {  	s26 =	simm.s32 $0xFC00  }
0x7e: {  	[hbm4b:s7+s2] =	stream.indirect_vreg.scatter [tilespmem:s26], [sflag:$0x4], $0x80, v3, vm0, $0xb8;
	[tilespmem:$0x18400] =	vst v63  }
0x7f: {  	_ =	swait.ge [sflag:s25], $0x8000  }
0x80: {  	[sflag:s25] =	ssyncset.done $0x0  }
0x81: {  	[sflag:s25] =	ssyncadd.s32 $0xFFFF8000  }
0x82: {  	_ =	swait.ge [sflag:s31], $0x8000  }
0x83: {  	[sflag:s31] =	ssyncset.done $0x0  }
0x84: {  	s1 =	rddreg [dreg:$0x7];
	[sflag:s31] =	ssyncadd.s32 $0xFFFF8000  }
0x85: {  	[tilespmem:s0], [sflag:$0x2] =	stream.linear.gather [hbm4b:s1+s2], $0x8000, $0x38;
	[tilespmem:$0x18400] =	vst v63  }
0x86: {  	v3 =	vld [tilespmem:$0x100];
	_ =	sdelay $0x4  }
0x87: {  	v52 =	vshll.u32 v3, $0x3  }
0x88: {  	v3 =	vand.u32 $0x7, v3;
	v4 =	vand.u32 $0xFFFFFFC0, v52  }
0x89: {  	v3 =	vor.u32 v3, v4  }
0x8a: {  	v4 =	vperm.xlane v3, v0;
	_ =	sdelay $0x1  }
0x8b: {  	v4 =	vadd.s32 v1, v4;
	_ =	sdelay $0x4  }
0x8c: {  	[hbm4b:s4+s2] =	stream.indirect_vreg.scatter [tilespmem:s9], [sflag:$0x4], $0x80, v4, vm0, $0xb8;
	[tilespmem:$0x18400] =	vst v63  }
0x8d: {  	s1 =	simm.s32 $0x10C00;
	v3 =	vperm.xlane v3, v2  }
0x8e: {  	[hbm4b:s5+s2] =	stream.indirect_vreg.scatter [tilespmem:s1], [sflag:$0x4], $0x80, v4, vm0, $0xb8;
	[tilespmem:$0x18400] =	vst v63  }
0x8f: {  	v3 =	vadd.s32 v1, v3  }
0x90: {  	[hbm4b:s6+s2] =	stream.indirect_vreg.scatter [tilespmem:s3], [sflag:$0x4], $0x80, v4, vm0, $0xb8;
	[tilespmem:$0x18400] =	vst v63  }
0x91: {  	_ = 	snop  }
0x92: {  	[hbm4b:s7+s2] =	stream.indirect_vreg.scatter [tilespmem:s11], [sflag:$0x4], $0x80, v4, vm0, $0xb8;
	[tilespmem:$0x18400] =	vst v63  }
0x93: {  	_ = 	snop  }
0x94: {  	[hbm4b:s4+s2] =	stream.indirect_vreg.scatter [tilespmem:s13], [sflag:$0x4], $0x80, v3, vm0, $0xb8;
	[tilespmem:$0x18400] =	vst v63  }
0x95: {  	_ = 	snop  }
0x96: {  	[hbm4b:s5+s2] =	stream.indirect_vreg.scatter [tilespmem:s14], [sflag:$0x4], $0x80, v3, vm0, $0xb8;
	[tilespmem:$0x18400] =	vst v63  }
0x97: {  	_ = 	snop  }
0x98: {  	[hbm4b:s6+s2] =	stream.indirect_vreg.scatter [tilespmem:s15], [sflag:$0x4], $0x80, v3, vm0, $0xb8;
	[tilespmem:$0x18400] =	vst v63  }
0x99: {  	_ = 	snop  }
0x9a: {  	[hbm4b:s7+s2] =	stream.indirect_vreg.scatter [tilespmem:s16], [sflag:$0x4], $0x80, v3, vm0, $0xb8;
	[tilespmem:$0x18400] =	vst v63  }
0x9b: {  	v3 =	vld [tilespmem:$0x110];
	_ =	sdelay $0x4  }
0x9c: {  	v53 =	vshll.u32 v3, $0x3  }
0x9d: {  	v3 =	vand.u32 $0x7, v3;
	v4 =	vand.u32 $0xFFFFFFC0, v53  }
0x9e: {  	v3 =	vor.u32 v3, v4  }
0x9f: {  	v4 =	vperm.xlane v3, v0;
	_ =	sdelay $0x1  }
0xa0: {  	v4 =	vadd.s32 v1, v4;
	_ =	sdelay $0x4  }
0xa1: {  	[hbm4b:s4+s2] =	stream.indirect_vreg.scatter [tilespmem:s17], [sflag:$0x4], $0x80, v4, vm0, $0xb8;
	[tilespmem:$0x18400] =	vst v63  }
0xa2: {  	v3 =	vperm.xlane v3, v2  }
0xa3: {  	[hbm4b:s5+s2] =	stream.indirect_vreg.scatter [tilespmem:s18], [sflag:$0x4], $0x80, v4, vm0, $0xb8;
	[tilespmem:$0x18400] =	vst v63  }
0xa4: {  	v3 =	vadd.s32 v1, v3  }
0xa5: {  	[hbm4b:s6+s2] =	stream.indirect_vreg.scatter [tilespmem:s19], [sflag:$0x4], $0x80, v4, vm0, $0xb8;
	[tilespmem:$0x18400] =	vst v63  }
0xa6: {  	_ = 	snop  }
0xa7: {  	[hbm4b:s7+s2] =	stream.indirect_vreg.scatter [tilespmem:s20], [sflag:$0x4], $0x80, v4, vm0, $0xb8;
	[tilespmem:$0x18400] =	vst v63  }
0xa8: {  	_ = 	snop  }
0xa9: {  	[hbm4b:s4+s2] =	stream.indirect_vreg.scatter [tilespmem:s21], [sflag:$0x4], $0x80, v3, vm0, $0xb8;
	[tilespmem:$0x18400] =	vst v63  }
0xaa: {  	_ = 	snop  }
0xab: {  	[hbm4b:s5+s2] =	stream.indirect_vreg.scatter [tilespmem:s22], [sflag:$0x4], $0x80, v3, vm0, $0xb8;
	[tilespmem:$0x18400] =	vst v63  }
0xac: {  	_ = 	snop  }
0xad: {  	[hbm4b:s6+s2] =	stream.indirect_vreg.scatter [tilespmem:s23], [sflag:$0x4], $0x80, v3, vm0, $0xb8;
	[tilespmem:$0x18400] =	vst v63  }
0xae: {  	_ = 	snop  }
0xaf: {  	[hbm4b:s7+s2] =	stream.indirect_vreg.scatter [tilespmem:s24], [sflag:$0x4], $0x80, v3, vm0, $0xb8;
	[tilespmem:$0x18400] =	vst v63  }
0xb0: {  	_ =	swait.ge [sflag:s12], $0x8000  }
0xb1: {  	[sflag:s12] =	ssyncset.done $0x0  }
0xb2: {  	[sflag:s12] =	ssyncadd.s32 $0xFFFF8000  }
0xb3: {  	_ =	swait.ge [sflag:s31], $0x8000  }
0xb4: {  	[sflag:s31] =	ssyncset.done $0x0  }
0xb5: {  	s26 =	rddreg [dreg:$0x8];
	[sflag:s31] =	ssyncadd.s32 $0xFFFF8000  }
0xb6: {  	[tilespmem:s9], [sflag:$0x3] =	stream.linear.gather [hbm4b:s26+s2], $0x8000, $0x38;
	[tilespmem:$0x18400] =	vst v63  }
0xb7: {  	v3 =	vld [tilespmem:$0x180];
	_ =	sdelay $0x4  }
0xb8: {  	v54 =	vshll.u32 v3, $0x3  }
0xb9: {  	v3 =	vand.u32 $0x7, v3;
	v4 =	vand.u32 $0xFFFFFFC0, v54  }
0xba: {  	v3 =	vor.u32 v3, v4  }
0xbb: {  	v4 =	vperm.xlane v3, v0;
	_ =	sdelay $0x1  }
0xbc: {  	v4 =	vadd.s32 v1, v4;
	_ =	sdelay $0x4  }
0xbd: {  	[hbm4b:s4+s2] =	stream.indirect_vreg.scatter [tilespmem:s10], [sflag:$0x4], $0x80, v4, vm0, $0xb8;
	[tilespmem:$0x18400] =	vst v63  }
0xbe: {  	s26 =	simm.s32 $0xC00;
	v3 =	vperm.xlane v3, v2  }
0xbf: {  	[hbm4b:s5+s2] =	stream.indirect_vreg.scatter [tilespmem:s26], [sflag:$0x4], $0x80, v4, vm0, $0xb8;
	[tilespmem:$0x18400] =	vst v63  }
0xc0: {  	v3 =	vadd.s32 v1, v3;
	s26 =	simm.s32 $0x1400  }
0xc1: {  	[hbm4b:s6+s2] =	stream.indirect_vreg.scatter [tilespmem:s26], [sflag:$0x4], $0x80, v4, vm0, $0xb8;
	[tilespmem:$0x18400] =	vst v63  }
0xc2: {  	s26 =	simm.s32 $0x1C00  }
0xc3: {  	[hbm4b:s7+s2] =	stream.indirect_vreg.scatter [tilespmem:s26], [sflag:$0x4], $0x80, v4, vm0, $0xb8;
	[tilespmem:$0x18400] =	vst v63  }
0xc4: {  	s26 =	simm.s32 $0x2400  }
0xc5: {  	[hbm4b:s4+s2] =	stream.indirect_vreg.scatter [tilespmem:s26], [sflag:$0x4], $0x80, v3, vm0, $0xb8;
	[tilespmem:$0x18400] =	vst v63  }
0xc6: {  	s26 =	simm.s32 $0x2C00  }
0xc7: {  	[hbm4b:s5+s2] =	stream.indirect_vreg.scatter [tilespmem:s26], [sflag:$0x4], $0x80, v3, vm0, $0xb8;
	[tilespmem:$0x18400] =	vst v63  }
0xc8: {  	s26 =	simm.s32 $0x3400  }
0xc9: {  	[hbm4b:s6+s2] =	stream.indirect_vreg.scatter [tilespmem:s26], [sflag:$0x4], $0x80, v3, vm0, $0xb8;
	[tilespmem:$0x18400] =	vst v63  }
0xca: {  	s26 =	simm.s32 $0x3C00  }
0xcb: {  	[hbm4b:s7+s2] =	stream.indirect_vreg.scatter [tilespmem:s26], [sflag:$0x4], $0x80, v3, vm0, $0xb8;
	[tilespmem:$0x18400] =	vst v63  }
0xcc: {  	v3 =	vld [tilespmem:$0x190];
	_ =	sdelay $0x4  }
0xcd: {  	v55 =	vshll.u32 v3, $0x3  }
0xce: {  	v3 =	vand.u32 $0x7, v3;
	v4 =	vand.u32 $0xFFFFFFC0, v55  }
0xcf: {  	v3 =	vor.u32 v3, v4  }
0xd0: {  	v4 =	vperm.xlane v3, v0;
	_ =	sdelay $0x1  }
0xd1: {  	v4 =	vadd.s32 v1, v4;
	_ =	sdelay $0x3  }
0xd2: {  	s26 =	simm.s32 $0x4400  }
0xd3: {  	[hbm4b:s4+s2] =	stream.indirect_vreg.scatter [tilespmem:s26], [sflag:$0x4], $0x80, v4, vm0, $0xb8;
	[tilespmem:$0x18400] =	vst v63  }
0xd4: {  	v3 =	vperm.xlane v3, v2;
	s26 =	simm.s32 $0x4C00  }
0xd5: {  	[hbm4b:s5+s2] =	stream.indirect_vreg.scatter [tilespmem:s26], [sflag:$0x4], $0x80, v4, vm0, $0xb8;
	[tilespmem:$0x18400] =	vst v63  }
0xd6: {  	v3 =	vadd.s32 v1, v3;
	s26 =	simm.s32 $0x5400  }
0xd7: {  	[hbm4b:s6+s2] =	stream.indirect_vreg.scatter [tilespmem:s26], [sflag:$0x4], $0x80, v4, vm0, $0xb8;
	[tilespmem:$0x18400] =	vst v63  }
0xd8: {  	s26 =	simm.s32 $0x5C00  }
0xd9: {  	[hbm4b:s7+s2] =	stream.indirect_vreg.scatter [tilespmem:s26], [sflag:$0x4], $0x80, v4, vm0, $0xb8;
	[tilespmem:$0x18400] =	vst v63  }
0xda: {  	s26 =	simm.s32 $0x6400  }
0xdb: {  	[hbm4b:s4+s2] =	stream.indirect_vreg.scatter [tilespmem:s26], [sflag:$0x4], $0x80, v3, vm0, $0xb8;
	[tilespmem:$0x18400] =	vst v63  }
0xdc: {  	s26 =	simm.s32 $0x6C00  }
0xdd: {  	[hbm4b:s5+s2] =	stream.indirect_vreg.scatter [tilespmem:s26], [sflag:$0x4], $0x80, v3, vm0, $0xb8;
	[tilespmem:$0x18400] =	vst v63  }
0xde: {  	s26 =	simm.s32 $0x7400  }
0xdf: {  	[hbm4b:s6+s2] =	stream.indirect_vreg.scatter [tilespmem:s26], [sflag:$0x4], $0x80, v3, vm0, $0xb8;
	[tilespmem:$0x18400] =	vst v63  }
0xe0: {  	s26 =	simm.s32 $0x7C00  }
0xe1: {  	[hbm4b:s7+s2] =	stream.indirect_vreg.scatter [tilespmem:s26], [sflag:$0x4], $0x80, v3, vm0, $0xb8;
	[tilespmem:$0x18400] =	vst v63  }
0xe2: {  	_ =	swait.ge [sflag:s30], $0x8000  }
0xe3: {  	[sflag:s30] =	ssyncset.done $0x0  }
0xe4: {  	[sflag:s30] =	ssyncadd.s32 $0xFFFF8000  }
0xe5: {  	_ =	swait.ge [sflag:s31], $0x8000  }
0xe6: {  	[sflag:s31] =	ssyncset.done $0x0  }
0xe7: {  	s26 =	rddreg [dreg:$0x9];
	[sflag:s31] =	ssyncadd.s32 $0xFFFF8000  }
0xe8: {  	[tilespmem:s10], [sflag:$0x1] =	stream.linear.gather [hbm4b:s26+s2], $0x8000, $0x38;
	[tilespmem:$0x18400] =	vst v63  }
0xe9: {  	v3 =	vld [tilespmem:$0x200];
	_ =	sdelay $0x4  }
0xea: {  	v56 =	vshll.u32 v3, $0x3  }
0xeb: {  	v3 =	vand.u32 $0x7, v3;
	v4 =	vand.u32 $0xFFFFFFC0, v56  }
0xec: {  	v3 =	vor.u32 v3, v4  }
0xed: {  	v4 =	vperm.xlane v3, v0;
	_ =	sdelay $0x1  }
0xee: {  	v4 =	vadd.s32 v1, v4;
	_ =	sdelay $0x4  }
0xef: {  	[hbm4b:s4+s2] =	stream.indirect_vreg.scatter [tilespmem:s0], [sflag:$0x4], $0x80, v4, vm0, $0xb8;
	[tilespmem:$0x18400] =	vst v63  }
0xf0: {  	s26 =	simm.s32 $0x8C00;
	v3 =	vperm.xlane v3, v2  }
0xf1: {  	[hbm4b:s5+s2] =	stream.indirect_vreg.scatter [tilespmem:s26], [sflag:$0x4], $0x80, v4, vm0, $0xb8;
	[tilespmem:$0x18400] =	vst v63  }
0xf2: {  	v3 =	vadd.s32 v1, v3;
	s26 =	simm.s32 $0x9400  }
0xf3: {  	[hbm4b:s6+s2] =	stream.indirect_vreg.scatter [tilespmem:s26], [sflag:$0x4], $0x80, v4, vm0, $0xb8;
	[tilespmem:$0x18400] =	vst v63  }
0xf4: {  	s26 =	simm.s32 $0x9C00  }
0xf5: {  	[hbm4b:s7+s2] =	stream.indirect_vreg.scatter [tilespmem:s26], [sflag:$0x4], $0x80, v4, vm0, $0xb8;
	[tilespmem:$0x18400] =	vst v63  }
0xf6: {  	_ = 	snop  }
0xf7: {  	[hbm4b:s4+s2] =	stream.indirect_vreg.scatter [tilespmem:s28], [sflag:$0x4], $0x80, v3, vm0, $0xb8;
	[tilespmem:$0x18400] =	vst v63  }
0xf8: {  	_ = 	snop  }
0xf9: {  	[hbm4b:s5+s2] =	stream.indirect_vreg.scatter [tilespmem:s29], [sflag:$0x4], $0x80, v3, vm0, $0xb8;
	[tilespmem:$0x18400] =	vst v63  }
0xfa: {  	s26 =	simm.s32 $0xB400  }
0xfb: {  	[hbm4b:s6+s2] =	stream.indirect_vreg.scatter [tilespmem:s26], [sflag:$0x4], $0x80, v3, vm0, $0xb8;
	[tilespmem:$0x18400] =	vst v63  }
0xfc: {  	s26 =	simm.s32 $0xBC00  }
0xfd: {  	[hbm4b:s7+s2] =	stream.indirect_vreg.scatter [tilespmem:s26], [sflag:$0x4], $0x80, v3, vm0, $0xb8;
	[tilespmem:$0x18400] =	vst v63  }
0xfe: {  	v3 =	vld [tilespmem:$0x210];
	_ =	sdelay $0x4  }
0xff: {  	v57 =	vshll.u32 v3, $0x3  }
0x100: {  	v3 =	vand.u32 $0x7, v3;
	v4 =	vand.u32 $0xFFFFFFC0, v57  }
0x101: {  	v3 =	vor.u32 v3, v4  }
0x102: {  	v4 =	vperm.xlane v3, v0;
	_ =	sdelay $0x1  }
0x103: {  	v4 =	vadd.s32 v1, v4;
	_ =	sdelay $0x3  }
0x104: {  	s26 =	simm.s32 $0xC400  }
0x105: {  	[hbm4b:s4+s2] =	stream.indirect_vreg.scatter [tilespmem:s26], [sflag:$0x4], $0x80, v4, vm0, $0xb8;
	[tilespmem:$0x18400] =	vst v63  }
0x106: {  	v3 =	vperm.xlane v3, v2;
	s26 =	simm.s32 $0xCC00  }
0x107: {  	[hbm4b:s5+s2] =	stream.indirect_vreg.scatter [tilespmem:s26], [sflag:$0x4], $0x80, v4, vm0, $0xb8;
	[tilespmem:$0x18400] =	vst v63  }
0x108: {  	v3 =	vadd.s32 v1, v3;
	s26 =	simm.s32 $0xD400  }
0x109: {  	[hbm4b:s6+s2] =	stream.indirect_vreg.scatter [tilespmem:s26], [sflag:$0x4], $0x80, v4, vm0, $0xb8;
	[tilespmem:$0x18400] =	vst v63  }
0x10a: {  	s26 =	simm.s32 $0xDC00  }
0x10b: {  	[hbm4b:s7+s2] =	stream.indirect_vreg.scatter [tilespmem:s26], [sflag:$0x4], $0x80, v4, vm0, $0xb8;
	[tilespmem:$0x18400] =	vst v63  }
0x10c: {  	s26 =	simm.s32 $0xE400  }
0x10d: {  	[hbm4b:s4+s2] =	stream.indirect_vreg.scatter [tilespmem:s26], [sflag:$0x4], $0x80, v3, vm0, $0xb8;
	[tilespmem:$0x18400] =	vst v63  }
0x10e: {  	s26 =	simm.s32 $0xEC00  }
0x10f: {  	[hbm4b:s5+s2] =	stream.indirect_vreg.scatter [tilespmem:s26], [sflag:$0x4], $0x80, v3, vm0, $0xb8;
	[tilespmem:$0x18400] =	vst v63  }
0x110: {  	s26 =	simm.s32 $0xF400  }
0x111: {  	[hbm4b:s6+s2] =	stream.indirect_vreg.scatter [tilespmem:s26], [sflag:$0x4], $0x80, v3, vm0, $0xb8;
	[tilespmem:$0x18400] =	vst v63  }
0x112: {  	s26 =	simm.s32 $0xFC00  }
0x113: {  	[hbm4b:s7+s2] =	stream.indirect_vreg.scatter [tilespmem:s26], [sflag:$0x4], $0x80, v3, vm0, $0xb8;
	[tilespmem:$0x18400] =	vst v63  }
0x114: {  	_ =	swait.ge [sflag:s25], $0x8000  }
0x115: {  	[sflag:s25] =	ssyncset.done $0x0  }
0x116: {  	[sflag:s25] =	ssyncadd.s32 $0xFFFF8000  }
0x117: {  	_ =	swait.ge [sflag:s31], $0x8000  }
0x118: {  	[sflag:s31] =	ssyncset.done $0x0  }
0x119: {  	s26 =	rddreg [dreg:$0xa];
	[sflag:s31] =	ssyncadd.s32 $0xFFFF8000  }
0x11a: {  	[tilespmem:s0], [sflag:$0x2] =	stream.linear.gather [hbm4b:s26+s2], $0x8000, $0x38;
	[tilespmem:$0x18400] =	vst v63  }
0x11b: {  	v3 =	vld [tilespmem:$0x280];
	_ =	sdelay $0x4  }
0x11c: {  	v58 =	vshll.u32 v3, $0x3  }
0x11d: {  	v3 =	vand.u32 $0x7, v3;
	v4 =	vand.u32 $0xFFFFFFC0, v58  }
0x11e: {  	v3 =	vor.u32 v3, v4  }
0x11f: {  	v4 =	vperm.xlane v3, v0;
	_ =	sdelay $0x1  }
0x120: {  	v4 =	vadd.s32 v1, v4;
	_ =	sdelay $0x4  }
0x121: {  	[hbm4b:s4+s2] =	stream.indirect_vreg.scatter [tilespmem:s9], [sflag:$0x4], $0x80, v4, vm0, $0xb8;
	[tilespmem:$0x18400] =	vst v63  }
0x122: {  	v3 =	vperm.xlane v3, v2  }
0x123: {  	[hbm4b:s5+s2] =	stream.indirect_vreg.scatter [tilespmem:s1], [sflag:$0x4], $0x80, v4, vm0, $0xb8;
	[tilespmem:$0x18400] =	vst v63  }
0x124: {  	v3 =	vadd.s32 v1, v3  }
0x125: {  	[hbm4b:s6+s2] =	stream.indirect_vreg.scatter [tilespmem:s3], [sflag:$0x4], $0x80, v4, vm0, $0xb8;
	[tilespmem:$0x18400] =	vst v63  }
0x126: {  	_ = 	snop  }
0x127: {  	[hbm4b:s7+s2] =	stream.indirect_vreg.scatter [tilespmem:s11], [sflag:$0x4], $0x80, v4, vm0, $0xb8;
	[tilespmem:$0x18400] =	vst v63  }
0x128: {  	_ = 	snop  }
0x129: {  	[hbm4b:s4+s2] =	stream.indirect_vreg.scatter [tilespmem:s13], [sflag:$0x4], $0x80, v3, vm0, $0xb8;
	[tilespmem:$0x18400] =	vst v63  }
0x12a: {  	_ = 	snop  }
0x12b: {  	[hbm4b:s5+s2] =	stream.indirect_vreg.scatter [tilespmem:s14], [sflag:$0x4], $0x80, v3, vm0, $0xb8;
	[tilespmem:$0x18400] =	vst v63  }
0x12c: {  	_ = 	snop  }
0x12d: {  	[hbm4b:s6+s2] =	stream.indirect_vreg.scatter [tilespmem:s15], [sflag:$0x4], $0x80, v3, vm0, $0xb8;
	[tilespmem:$0x18400] =	vst v63  }
0x12e: {  	_ = 	snop  }
0x12f: {  	[hbm4b:s7+s2] =	stream.indirect_vreg.scatter [tilespmem:s16], [sflag:$0x4], $0x80, v3, vm0, $0xb8;
	[tilespmem:$0x18400] =	vst v63  }
0x130: {  	v3 =	vld [tilespmem:$0x290];
	_ =	sdelay $0x4  }
0x131: {  	v59 =	vshll.u32 v3, $0x3  }
0x132: {  	v3 =	vand.u32 $0x7, v3;
	v4 =	vand.u32 $0xFFFFFFC0, v59  }
0x133: {  	v3 =	vor.u32 v3, v4  }
0x134: {  	v4 =	vperm.xlane v3, v0;
	_ =	sdelay $0x1  }
0x135: {  	v4 =	vadd.s32 v1, v4;
	_ =	sdelay $0x4  }
0x136: {  	[hbm4b:s4+s2] =	stream.indirect_vreg.scatter [tilespmem:s17], [sflag:$0x4], $0x80, v4, vm0, $0xb8;
	[tilespmem:$0x18400] =	vst v63  }
0x137: {  	v3 =	vperm.xlane v3, v2  }
0x138: {  	[hbm4b:s5+s2] =	stream.indirect_vreg.scatter [tilespmem:s18], [sflag:$0x4], $0x80, v4, vm0, $0xb8;
	[tilespmem:$0x18400] =	vst v63  }
0x139: {  	v3 =	vadd.s32 v1, v3  }
0x13a: {  	[hbm4b:s6+s2] =	stream.indirect_vreg.scatter [tilespmem:s19], [sflag:$0x4], $0x80, v4, vm0, $0xb8;
	[tilespmem:$0x18400] =	vst v63  }
0x13b: {  	_ = 	snop  }
0x13c: {  	[hbm4b:s7+s2] =	stream.indirect_vreg.scatter [tilespmem:s20], [sflag:$0x4], $0x80, v4, vm0, $0xb8;
	[tilespmem:$0x18400] =	vst v63  }
0x13d: {  	_ = 	snop  }
0x13e: {  	[hbm4b:s4+s2] =	stream.indirect_vreg.scatter [tilespmem:s21], [sflag:$0x4], $0x80, v3, vm0, $0xb8;
	[tilespmem:$0x18400] =	vst v63  }
0x13f: {  	_ = 	snop  }
0x140: {  	[hbm4b:s5+s2] =	stream.indirect_vreg.scatter [tilespmem:s22], [sflag:$0x4], $0x80, v3, vm0, $0xb8;
	[tilespmem:$0x18400] =	vst v63  }
0x141: {  	_ = 	snop  }
0x142: {  	[hbm4b:s6+s2] =	stream.indirect_vreg.scatter [tilespmem:s23], [sflag:$0x4], $0x80, v3, vm0, $0xb8;
	[tilespmem:$0x18400] =	vst v63  }
0x143: {  	_ = 	snop  }
0x144: {  	[hbm4b:s7+s2] =	stream.indirect_vreg.scatter [tilespmem:s24], [sflag:$0x4], $0x80, v3, vm0, $0xb8;
	[tilespmem:$0x18400] =	vst v63  }
0x145: {  	_ =	swait.ge [sflag:s12], $0x8000  }
0x146: {  	[sflag:s12] =	ssyncset.done $0x0  }
0x147: {  	[sflag:s12] =	ssyncadd.s32 $0xFFFF8000  }
0x148: {  	v3 =	vld [tilespmem:$0x300];
	_ =	sdelay $0x4  }
0x149: {  	v60 =	vshll.u32 v3, $0x3  }
0x14a: {  	v3 =	vand.u32 $0x7, v3;
	v4 =	vand.u32 $0xFFFFFFC0, v60  }
0x14b: {  	v3 =	vor.u32 v3, v4  }
0x14c: {  	v4 =	vperm.xlane v3, v0;
	_ =	sdelay $0x1  }
0x14d: {  	v4 =	vadd.s32 v1, v4;
	_ =	sdelay $0x4  }
0x14e: {  	[hbm4b:s4+s2] =	stream.indirect_vreg.scatter [tilespmem:s10], [sflag:$0x4], $0x80, v4, vm0, $0xb8;
	[tilespmem:$0x18400] =	vst v63  }
0x14f: {  	s26 =	simm.s32 $0xC00;
	v3 =	vperm.xlane v3, v2  }
0x150: {  	[hbm4b:s5+s2] =	stream.indirect_vreg.scatter [tilespmem:s26], [sflag:$0x4], $0x80, v4, vm0, $0xb8;
	[tilespmem:$0x18400] =	vst v63  }
0x151: {  	v3 =	vadd.s32 v1, v3;
	s26 =	simm.s32 $0x1400  }
0x152: {  	[hbm4b:s6+s2] =	stream.indirect_vreg.scatter [tilespmem:s26], [sflag:$0x4], $0x80, v4, vm0, $0xb8;
	[tilespmem:$0x18400] =	vst v63  }
0x153: {  	s26 =	simm.s32 $0x1C00  }
0x154: {  	[hbm4b:s7+s2] =	stream.indirect_vreg.scatter [tilespmem:s26], [sflag:$0x4], $0x80, v4, vm0, $0xb8;
	[tilespmem:$0x18400] =	vst v63  }
0x155: {  	s26 =	simm.s32 $0x2400  }
0x156: {  	[hbm4b:s4+s2] =	stream.indirect_vreg.scatter [tilespmem:s26], [sflag:$0x4], $0x80, v3, vm0, $0xb8;
	[tilespmem:$0x18400] =	vst v63  }
0x157: {  	s26 =	simm.s32 $0x2C00  }
0x158: {  	[hbm4b:s5+s2] =	stream.indirect_vreg.scatter [tilespmem:s26], [sflag:$0x4], $0x80, v3, vm0, $0xb8;
	[tilespmem:$0x18400] =	vst v63  }
0x159: {  	s26 =	simm.s32 $0x3400  }
0x15a: {  	[hbm4b:s6+s2] =	stream.indirect_vreg.scatter [tilespmem:s26], [sflag:$0x4], $0x80, v3, vm0, $0xb8;
	[tilespmem:$0x18400] =	vst v63  }
0x15b: {  	s26 =	simm.s32 $0x3C00  }
0x15c: {  	[hbm4b:s7+s2] =	stream.indirect_vreg.scatter [tilespmem:s26], [sflag:$0x4], $0x80, v3, vm0, $0xb8;
	[tilespmem:$0x18400] =	vst v63  }
0x15d: {  	v3 =	vld [tilespmem:$0x310];
	_ =	sdelay $0x4  }
0x15e: {  	v61 =	vshll.u32 v3, $0x3  }
0x15f: {  	v3 =	vand.u32 $0x7, v3;
	v4 =	vand.u32 $0xFFFFFFC0, v61  }
0x160: {  	v3 =	vor.u32 v3, v4  }
0x161: {  	v4 =	vperm.xlane v3, v0;
	_ =	sdelay $0x1  }
0x162: {  	v4 =	vadd.s32 v1, v4;
	_ =	sdelay $0x3  }
0x163: {  	s26 =	simm.s32 $0x4400  }
0x164: {  	[hbm4b:s4+s2] =	stream.indirect_vreg.scatter [tilespmem:s26], [sflag:$0x4], $0x80, v4, vm0, $0xb8;
	[tilespmem:$0x18400] =	vst v63  }
0x165: {  	v3 =	vperm.xlane v3, v2;
	s26 =	simm.s32 $0x4C00  }
0x166: {  	[hbm4b:s5+s2] =	stream.indirect_vreg.scatter [tilespmem:s26], [sflag:$0x4], $0x80, v4, vm0, $0xb8;
	[tilespmem:$0x18400] =	vst v63  }
0x167: {  	v3 =	vadd.s32 v1, v3;
	s26 =	simm.s32 $0x5400  }
0x168: {  	[hbm4b:s6+s2] =	stream.indirect_vreg.scatter [tilespmem:s26], [sflag:$0x4], $0x80, v4, vm0, $0xb8;
	[tilespmem:$0x18400] =	vst v63  }
0x169: {  	s26 =	simm.s32 $0x5C00  }
0x16a: {  	[hbm4b:s7+s2] =	stream.indirect_vreg.scatter [tilespmem:s26], [sflag:$0x4], $0x80, v4, vm0, $0xb8;
	[tilespmem:$0x18400] =	vst v63  }
0x16b: {  	s26 =	simm.s32 $0x6400  }
0x16c: {  	[hbm4b:s4+s2] =	stream.indirect_vreg.scatter [tilespmem:s26], [sflag:$0x4], $0x80, v3, vm0, $0xb8;
	[tilespmem:$0x18400] =	vst v63  }
0x16d: {  	s26 =	simm.s32 $0x6C00  }
0x16e: {  	[hbm4b:s5+s2] =	stream.indirect_vreg.scatter [tilespmem:s26], [sflag:$0x4], $0x80, v3, vm0, $0xb8;
	[tilespmem:$0x18400] =	vst v63  }
0x16f: {  	s26 =	simm.s32 $0x7400  }
0x170: {  	[hbm4b:s6+s2] =	stream.indirect_vreg.scatter [tilespmem:s26], [sflag:$0x4], $0x80, v3, vm0, $0xb8;
	[tilespmem:$0x18400] =	vst v63  }
0x171: {  	s26 =	simm.s32 $0x7C00  }
0x172: {  	[hbm4b:s7+s2] =	stream.indirect_vreg.scatter [tilespmem:s26], [sflag:$0x4], $0x80, v3, vm0, $0xb8;
	[tilespmem:$0x18400] =	vst v63  }
0x173: {  	_ =	swait.ge [sflag:s30], $0x8000  }
0x174: {  	[sflag:s30] =	ssyncset.done $0x0  }
0x175: {  	[sflag:s30] =	ssyncadd.s32 $0xFFFF8000  }
0x176: {  	v3 =	vld [tilespmem:$0x380];
	_ =	sdelay $0x4  }
0x177: {  	v62 =	vshll.u32 v3, $0x3  }
0x178: {  	v3 =	vand.u32 $0x7, v3;
	v4 =	vand.u32 $0xFFFFFFC0, v62  }
0x179: {  	v3 =	vor.u32 v3, v4  }
0x17a: {  	v4 =	vperm.xlane v3, v0;
	_ =	sdelay $0x1  }
0x17b: {  	v4 =	vadd.s32 v1, v4;
	_ =	sdelay $0x4  }
0x17c: {  	[hbm4b:s4+s2] =	stream.indirect_vreg.scatter [tilespmem:s0], [sflag:$0x4], $0x80, v4, vm0, $0xb8;
	[tilespmem:$0x18400] =	vst v63  }
0x17d: {  	s26 =	simm.s32 $0x8C00;
	v3 =	vperm.xlane v3, v2  }
0x17e: {  	[hbm4b:s5+s2] =	stream.indirect_vreg.scatter [tilespmem:s26], [sflag:$0x4], $0x80, v4, vm0, $0xb8;
	[tilespmem:$0x18400] =	vst v63  }
0x17f: {  	s1 =	simm.s32 $0x9400;
	v3 =	vadd.s32 v1, v3  }
0x180: {  	[hbm4b:s6+s2] =	stream.indirect_vreg.scatter [tilespmem:s1], [sflag:$0x4], $0x80, v4, vm0, $0xb8;
	[tilespmem:$0x18400] =	vst v63  }
0x181: {  	s26 =	simm.s32 $0x9C00  }
0x182: {  	[hbm4b:s7+s2] =	stream.indirect_vreg.scatter [tilespmem:s26], [sflag:$0x4], $0x80, v4, vm0, $0xb8;
	[tilespmem:$0x18400] =	vst v63  }
0x183: {  	_ = 	snop  }
0x184: {  	[hbm4b:s4+s2] =	stream.indirect_vreg.scatter [tilespmem:s28], [sflag:$0x4], $0x80, v3, vm0, $0xb8;
	[tilespmem:$0x18400] =	vst v63  }
0x185: {  	_ = 	snop  }
0x186: {  	[hbm4b:s5+s2] =	stream.indirect_vreg.scatter [tilespmem:s29], [sflag:$0x4], $0x80, v3, vm0, $0xb8;
	[tilespmem:$0x18400] =	vst v63  }
0x187: {  	s28 =	simm.s32 $0xB400  }
0x188: {  	[hbm4b:s6+s2] =	stream.indirect_vreg.scatter [tilespmem:s28], [sflag:$0x4], $0x80, v3, vm0, $0xb8;
	[tilespmem:$0x18400] =	vst v63  }
0x189: {  	s1 =	simm.s32 $0xBC00  }
0x18a: {  	[hbm4b:s7+s2] =	stream.indirect_vreg.scatter [tilespmem:s1], [sflag:$0x4], $0x80, v3, vm0, $0xb8;
	[tilespmem:$0x18400] =	vst v63  }
0x18b: {  	v3 =	vld [tilespmem:$0x390];
	_ =	sdelay $0x4  }
0x18c: {  	v63 =	vshll.u32 v3, $0x3  }
0x18d: {  	v3 =	vand.u32 $0x7, v3;
	v4 =	vand.u32 $0xFFFFFFC0, v63  }
0x18e: {  	v3 =	vor.u32 v3, v4  }
0x18f: {  	v4 =	vperm.xlane v3, v0;
	_ =	sdelay $0x1  }
0x190: {  	v4 =	vadd.s32 v1, v4;
	_ =	sdelay $0x3  }
0x191: {  	s26 =	simm.s32 $0xC400  }
0x192: {  	[hbm4b:s4+s2] =	stream.indirect_vreg.scatter [tilespmem:s26], [sflag:$0x4], $0x80, v4, vm0, $0xb8;
	[tilespmem:$0x18400] =	vst v63  }
0x193: {  	s28 =	simm.s32 $0xCC00;
	v3 =	vperm.xlane v3, v2  }
0x194: {  	[hbm4b:s5+s2] =	stream.indirect_vreg.scatter [tilespmem:s28], [sflag:$0x4], $0x80, v4, vm0, $0xb8;
	[tilespmem:$0x18400] =	vst v63  }
0x195: {  	s1 =	simm.s32 $0xD400;
	v3 =	vadd.s32 v1, v3  }
0x196: {  	[hbm4b:s6+s2] =	stream.indirect_vreg.scatter [tilespmem:s1], [sflag:$0x4], $0x80, v4, vm0, $0xb8;
	[tilespmem:$0x18400] =	vst v63  }
0x197: {  	s26 =	simm.s32 $0xDC00  }
0x198: {  	[hbm4b:s7+s2] =	stream.indirect_vreg.scatter [tilespmem:s26], [sflag:$0x4], $0x80, v4, vm0, $0xb8;
	[tilespmem:$0x18400] =	vst v63  }
0x199: {  	s28 =	simm.s32 $0xE400  }
0x19a: {  	[hbm4b:s4+s2] =	stream.indirect_vreg.scatter [tilespmem:s28], [sflag:$0x4], $0x80, v3, vm0, $0xb8;
	[tilespmem:$0x18400] =	vst v63  }
0x19b: {  	s1 =	simm.s32 $0xEC00  }
0x19c: {  	[hbm4b:s5+s2] =	stream.indirect_vreg.scatter [tilespmem:s1], [sflag:$0x4], $0x80, v3, vm0, $0xb8;
	[tilespmem:$0x18400] =	vst v63  }
0x19d: {  	s26 =	simm.s32 $0xF400  }
0x19e: {  	[hbm4b:s6+s2] =	stream.indirect_vreg.scatter [tilespmem:s26], [sflag:$0x4], $0x80, v3, vm0, $0xb8;
	[tilespmem:$0x18400] =	vst v63  }
0x19f: {  	s28 =	simm.s32 $0xFC00  }
0x1a0: {  	[hbm4b:s7+s2] =	stream.indirect_vreg.scatter [tilespmem:s28], [sflag:$0x4], $0x80, v3, vm0, $0xb8;
	[tilespmem:$0x18400] =	vst v63  }
0x1a1: {  	_ =	swait.ge [sflag:s31], $0x8000  }
0x1a2: {  	[sflag:s31] =	ssyncset.done $0x0  }
0x1a3: {  	[sflag:s31] =	ssyncadd.s32 $0xFFFF8000  }
0x1a4: {  	p0 =	sne.s32 s8, $0x1;
	_ =	swait.ge [sflag:s31], $0x8000  }
.Ltmp0:
0x1a5: {  	[sflag:s31] =	ssyncset.done $0x0;
	(pc) =	sbr.rel @p0 .LBB2_1-.Ltmp0, $4  }
0x1a6: {  	[sflag:s31] =	ssyncadd.s32 $0xFFFF8000  }
0x1a7: {  	_ =	swait.ge [sflag:s31], $0x8000  }
0x1a8: {  	[sflag:s31] =	ssyncset.done $0x0  }
0x1a9: {  	s8 =	sadd.s32 $0xFFFFFFFF, s8;
	[sflag:s31] =	ssyncadd.s32 $0xFFFF8000  }
0x1aa: {  	_ =	sfence.sel $0x180000  }
0x1ab: {  	[bflag:$0x0] =	sbarrier.arrive $0xFFFF  }
0x1ac: {  	_ =	strace $0x90000047  }
0x1ad: {  	s0 =	stileid.u32;
	[bflag:$0x2] =	sbarrier.arrive $0xFFFF  }
0x1ae: {  	p0 =	sne.s32 s0, $0x0;
	s0 =	rddreg [dreg:$0x2]  }
0x1af: {  	s0 =	sadd.s32 @!p0 $0x100000, s0  }
0x1b0: {  	[sflag:s0] =	ssyncadd.tile.s32 @!p0 $0x1;
	_ =	shalt  }
.Lfunc_end2:
_tile_overlayer_lowered:
.L_overlay_start_2:
0x1b1: {  	(tag) =	ssettag $0x2  }
0x1b2: {  	s0 =	rddreg [dreg:$0x0];
	s2 =	stileid.u32  }
0x1b3: {  	s1 =	rddreg [dreg:$0x1];
	p0 =	sne.s32 s2, $0x0  }
0x1b4: {  	s3 =	rddreg [dreg:$0x2];
	[bflag:$0x3] =	sbarrier.arrive $0xFFFF;
	s2 =	simm.s32 @!p0 $0x1C05  }
0x1b5: {  	[timem:s3], [sflag:s2] =	dma.local @!p0 [hbm:s0], s1  }
0x1b6: {  	s0 =	simm.s32 @!p0 $0x5  }
0x1b7: {  	_ =	swait.ge @!p0 [sflag:s0], s1  }
0x1b8: {  	s1 =	ssub.s32 @!p0 $0x0, s1;
	[sflag:s0] =	ssyncset.done @!p0 $0x0  }
0x1b9: {  	[sflag:s0] =	ssyncadd.s32 @!p0 s1  }
0x1ba: {  	[bflag:$0x3] =	sbarrier.arrive $0xFFFF  }
0x1bb: {  	_ =	shalt  }

// kernel: kernel.8.cloned.1.call-start
scs
__scs_entry_jumppad:
0x0: {  	(pc) =	sbr.rel $0x88, $3  }
0x1: {  	(tag) =	ssettag $0x0;
	lr =	simm.s32 $0x1  }
0x2: {  	[smem:$0x3F95] =	sst lr;
	_ =	strace $0xD0000000  }
0x3: {  	_ = 	snop  }
0x4: {  	_ = 	snop  }
0x5: {  	_ = 	snop  }
0x6: {  	_ = 	snop  }
0x7: {  	_ = 	snop  }
__scs_overlays_trampoline_lowered:
0x8: {  	[smem:$0x3FA4] =	sst s0  }
0x9: {  	[smem:$0x3FA5] =	sst s1  }
0xa: {  	[smem:$0x3FA6] =	sst s2  }
0xb: {  	[smem:$0x3FA7] =	sst s3  }
0xc: {  	[smem:$0x3FA8] =	sst s4  }
0xd: {  	[smem:$0x3FA9] =	sst s5  }
0xe: {  	[smem:$0x3FAA] =	sst s6  }
0xf: {  	[smem:$0x3FAB] =	sst s7  }
0x10: {  	[smem:$0x3FAC] =	sst s8  }
0x11: {  	[smem:$0x3FAD] =	sst s9;
	s0 =	simm.s32 @!p0 $0x0  }
0x12: {  	s1 =	sld [smem:$0x3F93];
	s0 =	simm.s32 @p0 $0x1  }
0x13: {  	[smem:$0x3FAE] =	sst s0;
	s0 =	simm.s32 @!p1 $0x0  }
0x14: {  	s2 =	sld [smem:$0x3F92];
	s0 =	simm.s32 @p1 $0x1  }
0x15: {  	[smem:$0x3FAF] =	sst s0;
	s0 =	simm.s32 @!p2 $0x0  }
0x16: {  	s3 =	sld [smem:$0x3FDB];
	s0 =	simm.s32 @p2 $0x1  }
0x17: {  	s4 =	simm.s32 $0x1BF5;
	[smem:$0x3FB1] =	sst s0  }
0x18: {  	s0 =	sld [smem:$0x3F94];
	_ =	swait.ge [sflag:s4], $0x0  }
0x19: {  	s7 =	sld [smem:$0x3F95]  }
0x1a: {  	s8 =	sadd.s32 $0xFFFFE003, lr  }
0x1b: {  	s9 =	sadd.s32 $0xFFFFFEF7, lr;
	s5 =	simm.s32 $0xFFFFFFFF;
	p2 =	slt.u32 s8, $0xFFFFF086  }
0x1c: {  	p1 =	slt.u32 s9, $0xF7A;
	s5 =	simm.s32 @!p2 $0x0  }
0x1d: {  	s5 =	simm.s32 @p1 $0x1;
	p0 =	seq.s32 s7, s2  }
0x1e: {  	s7 =	smul.u32 @!p0 $0xF7A, s2;
	p2 =	seq.s32 @!p0 s5, $0x0  }
0x1f: {  	s9 =	smul.u32 $0xF7A, s1;
	s8 =	simm.s32 @!p0 $0x1BF5;
	p2 =	por !p2, p0  }
0x20: {  	[sflag:s8] =	ssyncset.s32 @!p0 $0xFFFFF086;
	s6 =	sadd.s32 @!p0 s3, s7;
	s7 =	simm.s32 @!p0 $0x108  }
0x21: {  	s3 =	sadd.s32 s3, s9;
	s6 =	sadd.s32 @!p0 $0x88, s6;
	s7 =	simm.s32 @p2 $0x1082  }
0x22: {  	[simem:s7], [sflag:s8] =	dma.local @!p0 [hbm:s6], $0xF7A  }
0x23: {  	s9 =	sor.u32 $0xD0000000, s2;
	s6 =	simm.s32 $0x108;
	_ =	swait.ge @!p0 [sflag:s8], $0x0  }
0x24: {  	s3 =	sadd.s32 $0x88, s3;
	s6 =	simm.s32 @!p1 $0x1082;
	[sflag:s4] =	ssyncset.s32 $0xFFFFF086  }
0x25: {  	[simem:s6], [sflag:s4] =	dma.local [hbm:s3], $0xF7A  }
0x26: {  	[smem:$0x3F95] =	sst s1;
	(tag) =	ssettag s2;
	_ =	strace s9  }
0x27: {  	s1 =	sld [smem:$0x3FA5]  }
0x28: {  	s2 =	sld [smem:$0x3FA6]  }
0x29: {  	s4 =	sld [smem:$0x3FA8]  }
0x2a: {  	p0 =	seq.s32 s5, $0x0;
	s5 =	sld [smem:$0x3FA9]  }
0x2b: {  	s6 =	sld [smem:$0x3FAA]  }
0x2c: {  	s7 =	sld [smem:$0x3FAB]  }
0x2d: {  	s3 =	simm.s32 $0x108;
	s8 =	sld [smem:$0x3FAC]  }
0x2e: {  	s3 =	simm.s32 @!p0 $0x1082;
	s9 =	sld [smem:$0x3FAD]  }
0x2f: {  	lr =	sadd.s32 s0, s3;
	s0 =	sld [smem:$0x3FA4]  }
0x30: {  	s3 =	sld [smem:$0x3FA7]  }
0x31: {  	[smem:$0x3FB0] =	sst s10  }
0x32: {  	s10 =	sld [smem:$0x3FAE];
	_ =	sdelay $0x3  }
0x33: {  	p0 =	seq.s32 s10, $0x1;
	s10 =	sld [smem:$0x3FB0];
	_ =	sdelay $0x3  }
0x34: {  	[smem:$0x3FB0] =	sst s10  }
0x35: {  	s10 =	sld [smem:$0x3FAF];
	_ =	sdelay $0x3  }
0x36: {  	p1 =	seq.s32 s10, $0x1;
	s10 =	sld [smem:$0x3FB0];
	_ =	sdelay $0x3  }
0x37: {  	[smem:$0x3FB0] =	sst s10  }
0x38: {  	s10 =	sld [smem:$0x3FB1]  }
0x39: {  	_ = 	snop;
	(pc) =	sbr.ind lr, $3  }
0x3a: {  	_ = 	snop  }
0x3b: {  	_ = 	snop  }
0x3c: {  	p2 =	seq.s32 s10, $0x1;
	s10 =	sld [smem:$0x3FB0]  }
0x3d: {  	_ =	shalt  }
0x3e: {  	_ =	shalt  }
0x3f: {  	_ =	shalt  }
0x40: {  	_ =	shalt  }
0x41: {  	_ =	shalt  }
0x42: {  	_ =	shalt  }
0x43: {  	_ =	shalt  }
0x44: {  	_ =	shalt  }
0x45: {  	_ =	shalt  }
0x46: {  	_ =	shalt  }
0x47: {  	_ =	shalt  }
0x48: {  	_ =	shalt  }
0x49: {  	_ =	shalt  }
0x4a: {  	_ =	shalt  }
0x4b: {  	_ =	shalt  }
0x4c: {  	_ =	shalt  }
0x4d: {  	_ =	shalt  }
0x4e: {  	_ =	shalt  }
0x4f: {  	_ =	shalt  }
0x50: {  	_ =	shalt  }
0x51: {  	_ =	shalt  }
0x52: {  	_ =	shalt  }
0x53: {  	_ =	shalt  }
0x54: {  	_ =	shalt  }
0x55: {  	_ =	shalt  }
0x56: {  	_ =	shalt  }
0x57: {  	_ =	shalt  }
0x58: {  	_ =	shalt  }
0x59: {  	_ =	shalt  }
0x5a: {  	_ =	shalt  }
0x5b: {  	_ =	shalt  }
0x5c: {  	_ =	shalt  }
0x5d: {  	_ =	shalt  }
0x5e: {  	_ =	shalt  }
0x5f: {  	_ =	shalt  }
0x60: {  	_ =	shalt  }
0x61: {  	_ =	shalt  }
0x62: {  	_ =	shalt  }
0x63: {  	_ =	shalt  }
0x64: {  	_ =	shalt  }
0x65: {  	_ =	shalt  }
0x66: {  	_ =	shalt  }
0x67: {  	_ =	shalt  }
0x68: {  	_ =	shalt  }
0x69: {  	_ =	shalt  }
0x6a: {  	_ =	shalt  }
0x6b: {  	_ =	shalt  }
0x6c: {  	_ =	shalt  }
0x6d: {  	_ =	shalt  }
0x6e: {  	_ =	shalt  }
0x6f: {  	_ =	shalt  }
0x70: {  	_ =	shalt  }
0x71: {  	_ =	shalt  }
0x72: {  	_ =	shalt  }
0x73: {  	_ =	shalt  }
0x74: {  	_ =	shalt  }
0x75: {  	_ =	shalt  }
0x76: {  	_ =	shalt  }
0x77: {  	_ =	shalt  }
0x78: {  	_ =	shalt  }
0x79: {  	_ =	shalt  }
0x7a: {  	_ =	shalt  }
0x7b: {  	_ =	shalt  }
0x7c: {  	_ =	shalt  }
0x7d: {  	_ =	shalt  }
0x7e: {  	_ =	shalt  }
0x7f: {  	_ =	shalt  }
0x80: {  	_ =	shalt  }
0x81: {  	_ =	shalt  }
0x82: {  	_ =	shalt  }
0x83: {  	_ =	shalt  }
0x84: {  	_ =	shalt  }
0x85: {  	_ =	shalt  }
0x86: {  	_ =	shalt  }
0x87: {  	_ =	shalt  }
.Lfunc_end0:
.L_simem_size_0:
called_computation.1_lowered:
.L_overlay_start_0:
0x88: {  	s2 =	sld [smem:$0x3FD9]  }
0x89: {  	s3 =	sld [smem:$0x3FFE];
	_ =	sdelay $0x1  }
0x8a: {  	s1 =	srdreg.scid  }
0x8b: {  	s0 =	sand.u32 $0x1, s1  }
0x8c: {  	s17 =	sshll.u32 s0, $0xA;
	s2 =	sadd.s32 s3, s2  }
0x8d: {  	s2 =	sadd.s32 s2, s17  }
0x8e: {  	[smem:$0x3FBC] =	sst s2  }
0x8f: {  	_ = 	snop  }
0x90: {  	s2 =	sld [smem:$0x3FD0];
	(tm) =	ssettm $0x1  }
0x91: {  	s18 =	sld [smem:$0x3FFB];
	_ =	sdelay $0x3  }
0x92: {  	_ =	strace s18  }
0x93: {  	s3 =	sld [smem:$0x3FFC];
	_ =	sdelay $0x3  }
0x94: {  	_ =	strace s3  }
0x95: {  	s3 =	sld [smem:$0x3FFD];
	_ =	sdelay $0x3  }
0x96: {  	_ =	strace s3  }
0x97: {  	_ =	strace $0x8FFFFFFF  }
0x98: {  	s19 =	sld [smem:$0x3FDB];
	_ =	sdelay $0x1  }
0x99: {  	s4 =	simm.s32 $_scs_section_size  }
0x9a: {  	s5 =	simm.s32 $_size__tile_overlayer_lowered;
	s6 =	simm.s32 $_tile_overlayer_lowered  }
0x9b: {  	s22 =	simm.s32 $0x1BFF;
	s21 =	sshll.u32 s6, $0x1;
	s3 =	sadd.s32 s4, s19  }
0x9c: {  	s7 =	simm.s32 $0x0;
	s20 =	sshll.u32 s5, $0x1;
	s5 =	sadd.s32 s21, s3  }
0x9d: {  	[timem:s7], [sflag:s22] =	dma.local [hbm:s5], s20  }
0x9e: {  	_ =	swait.ge [sflag:s22], s20  }
0x9f: {  	s4 =	ssub.s32 $0x0, s20;
	[sflag:s22] =	ssyncset.done $0x0  }
0xa0: {  	[sflag:s22] =	ssyncadd.s32 s4;
	_ =	sdelay $0x1  }
0xa1: {  	s23 =	simm.s32 $0x1B8B  }
0xa2: {  	_ =	swait.ge [sflag:s23], $0x1  }
0xa3: {  	[sflag:s23] =	ssyncset.done $0x0  }
0xa4: {  	s25 =	simm.s32 $0x1B8E;
	s24 =	sld [smem:$0x3FFE];
	[sflag:s23] =	ssyncadd.s32 $0xFFFFFFFF  }
0xa5: {  	s26 =	simm.s32 $execute0_lowered;
	[smem:$0x3FD2] =	sst s25  }
0xa6: {  	s5 =	sshll.u32 s26, $0x1;
	_ =	strace $0x80000049;
	[dreg:$0x1] =	wrdreg $0xFFFFFFFF  }
0xa7: {  	s28 =	simm.s32 $_size_execute0_lowered;
	s3 =	sadd.s32 s3, s5;
	[dreg:$0x0] =	wrdreg $0x0  }
0xa8: {  	s5 =	sshll.u32 s28, $0x1;
	[dreg:$0x2] =	wrdreg s3  }
0xa9: {  	[dreg:$0x3] =	wrdreg s5  }
0xaa: {  	[dreg:$0x4] =	wrdreg $0xC0  }
0xab: {  	_ =	task [dreg:s7], $0x5FFFF  }
0xac: {  	[dreg:$0x1] =	wrdreg $0xFFFFFFFF  }
0xad: {  	[dreg:$0x0] =	wrdreg $0x60  }
0xae: {  	[dreg:$0x2] =	wrdreg s24  }
0xaf: {  	[dreg:$0x3] =	wrdreg s2  }
0xb0: {  	[dreg:$0x4] =	wrdreg $0x9  }
0xb1: {  	_ =	task.clear_ibuf [dreg:s7], $0x5FFFF;
	_ =	strace $0x90000049  }
0xb2: {  	s29 =	simm.s32 $0x9;
	_ =	strace $0x8000004B  }
0xb3: {  	_ =	swait.ge [sflag:s29], $0x1  }
0xb4: {  	[sflag:s29] =	ssyncadd.s32 $0xFFFFFFFF  }
0xb5: {  	_ =	strace $0x9000004B  }
0xb6: {  	_ =	sfence  }
0xb7: {  	s30 =	sld [smem:$0x0];
	_ =	sdelay $0x2  }
0xb8: {  	s31 =	sshll.u32 s1, $0xD;
	s1 =	sshrl.u32 s1, $0x2  }
0xb9: {  	s3 =	sand.u32 $0x4000, s31;
	s1 =	sadd.s32 s1, s30  }
0xba: {  	s0 =	sor.u32 s3, s0;
	s1 =	sshll.u32 s1, $0x11  }
0xbb: {  	s0 =	sor.u32 s1, s0  }
0xbc: {  	s0 =	sadd.s32 $0x8F2B, s0  }
0xbd: {  	[sflag:s0] =	ssyncadd.remote.s32 $0x1  }
0xbe: {  	_ =	sfence.sel $0xFFFF  }
0xbf: {  	[dreg:$0x0] =	wrdreg $0xFFFFFFFF;
	(pc) =	sbr.abs _section_cstart, $3  }
0xc0: {  	[dreg:$0x1] =	wrdreg $0xFFFFFFFF  }
0xc1: {  	_ =	task.clear_ibuf [dreg:s7], $0x2FFFF;
	_ =	strace $0x9FFFFFFF  }
0xc2: {  	(tm) =	ssettm $0x7FFFFFFF  }
0xc3: {  	_ =	shalt  }
tec
execute0_lowered:
.L_overlay_start_1:
0x0: {  	(tag) =	ssettag $0x1  }
0x1: {  	s1 =	srdreg.scid  }
0x2: {  	s2 =	rddreg [dreg:$0x0];
	s0 =	stileid.u32;
	s12 =	sand.u32 $0x1, s1  }
0x3: {  	s5 =	rddreg [dreg:$0x1];
	s4 =	sshll.u32 s0, $0x9;
	s6 =	sshll.u32 s12, $0x8  }
0x4: {  	s3 =	simm.s32 $0x0;
	s1 =	rddreg [dreg:$0x2];
	s11 =	sor.u32 s6, s4  }
0x5: {  	[smem:$0x7FF] =	sst s3;
	s4 =	sshrl.u32 s11, $0x3;
	s13 =	sor.u32 $0x80, s11  }
0x6: {  	_ =	strace $0x8000004A;
	s4 =	sadd.s32 s5, s4;
	s29 =	sshrl.u32 s13, $0x3  }
0x7: {  	[tilespmem:s3], [sflag:$0x1] =	stream.linear.gather [hbm4b:s4+s3], $0x80, $0x38;
	[tilespmem:$0x8100] =	vst v63  }
0x8: {  	s7 =	simm.s32 $0x1;
	s6 =	simm.s32 $0x80;
	s5 =	sadd.s32 s5, s29  }
0x9: {  	[tilespmem:s6], [sflag:$0x1] =	stream.linear.gather [hbm4b:s5+s3], $0x80, $0x38;
	[tilespmem:$0x8100] =	vst v63  }
0xa: {  	_ =	swait.ge [sflag:s7], $0x80  }
0xb: {  	[sflag:s7] =	ssyncset.done $0x0  }
0xc: {  	s8 =	simm.s32 $0x100;
	[sflag:s7] =	ssyncadd.s32 $0xFFFFFF80  }
0xd: {  	[tilespmem:s8], [sflag:$0x2] =	stream.indirect.gather [hbm4b:s2+s6], $0x80, s3, s6, $0xb8;
	[tilespmem:$0x8100] =	vst v63  }
0xe: {  	_ =	swait.ge [sflag:s7], $0x80  }
0xf: {  	[sflag:s7] =	ssyncset.done $0x0  }
0x10: {  	s9 =	simm.s32 $0x4100;
	s10 =	simm.s32 $0x2;
	[sflag:s7] =	ssyncadd.s32 $0xFFFFFF80  }
0x11: {  	[tilespmem:s9], [sflag:$0x2] =	stream.indirect.gather [hbm4b:s2+s6], $0x80, s6, s6, $0xb8;
	[tilespmem:$0x8100] =	vst v63  }
0x12: {  	s14 =	sadd.s32 $0x28000, s2;
	s15 =	ssub.s32 $0x2, s12;
	_ =	swait.ge [sflag:s10], $0x4000  }
0x13: {  	s31 =	sshrl.u32 s15, $0x1;
	s11 =	sshll.u32 s11, $0x4;
	[sflag:s10] =	ssyncset.done $0x0  }
0x14: {  	s11 =	sadd.s32 s14, s11;
	s30 =	sshll.u32 s13, $0x4;
	[sflag:s10] =	ssyncadd.s32 $0xFFFFC000  }
0x15: {  	[hbm4b:s11+s3] =	stream.linear.scatter [tilespmem:s8], [sflag:$0x3], $0x4000, $0x38;
	[tilespmem:$0x8100] =	vst v63  }
0x16: {  	s13 =	sadd.s32 s14, s30;
	s14 =	ssub.s32 s15, s31;
	_ =	swait.ge [sflag:s10], $0x4000  }
0x17: {  	s14 =	smax.u32 s14, $0x1;
	[sflag:s10] =	ssyncset.done $0x0  }
0x18: {  	s12 =	simm.s32 $0x3;
	p0 =	sne.s32 s14, $0x1;
	[sflag:s10] =	ssyncadd.s32 $0xFFFFC000  }
0x19: {  	[hbm4b:s13+s3] =	stream.linear.scatter [tilespmem:s9], [sflag:$0x3], $0x4000, $0x38;
	[tilespmem:$0x8100] =	vst v63  }
.Ltmp0:
0x1a: {  	_ =	swait.ge [sflag:s12], $0x4000;
	(pc) =	sbr.rel @!p0 .LBB2_2-.Ltmp0, $4  }
0x1b: {  	[sflag:s12] =	ssyncset.done $0x0  }
0x1c: {  	[sflag:s12] =	ssyncadd.s32 $0xFFFFC000  }
0x1d: {  	_ =	swait.ge [sflag:s12], $0x4000  }
0x1e: {  	s14 =	sadd.s32 $0xFFFFFFFF, s14;
	[sflag:s12] =	ssyncset.done $0x0  }
.LBB2_1:
0x1f: {  	p0 =	sne.s32 s14, $0x1;
	s14 =	sadd.s32 $0xFFFFFFFF, s14;
	[sflag:s12] =	ssyncadd.s32 $0xFFFFC000  }
0x20: {  	[tilespmem:s3], [sflag:$0x1] =	stream.linear.gather [hbm4b:s4+s3], $0x80, $0x38;
	[tilespmem:$0x8100] =	vst v63  }
0x21: {  	_ = 	snop  }
0x22: {  	[tilespmem:s6], [sflag:$0x1] =	stream.linear.gather [hbm4b:s5+s3], $0x80, $0x38;
	[tilespmem:$0x8100] =	vst v63  }
0x23: {  	_ =	swait.ge [sflag:s7], $0x80  }
0x24: {  	[sflag:s7] =	ssyncset.done $0x0  }
0x25: {  	[sflag:s7] =	ssyncadd.s32 $0xFFFFFF80  }
0x26: {  	[tilespmem:s8], [sflag:$0x2] =	stream.indirect.gather [hbm4b:s2+s6], $0x80, s3, s6, $0xb8;
	[tilespmem:$0x8100] =	vst v63  }
0x27: {  	_ =	swait.ge [sflag:s7], $0x80  }
0x28: {  	[sflag:s7] =	ssyncset.done $0x0  }
0x29: {  	[sflag:s7] =	ssyncadd.s32 $0xFFFFFF80  }
0x2a: {  	[tilespmem:s9], [sflag:$0x2] =	stream.indirect.gather [hbm4b:s2+s6], $0x80, s6, s6, $0xb8;
	[tilespmem:$0x8100] =	vst v63  }
0x2b: {  	_ =	swait.ge [sflag:s10], $0x4000  }
0x2c: {  	[sflag:s10] =	ssyncset.done $0x0  }
0x2d: {  	[sflag:s10] =	ssyncadd.s32 $0xFFFFC000  }
0x2e: {  	[hbm4b:s11+s3] =	stream.linear.scatter [tilespmem:s8], [sflag:$0x3], $0x4000, $0x38;
	[tilespmem:$0x8100] =	vst v63  }
0x2f: {  	_ =	swait.ge [sflag:s10], $0x4000  }
0x30: {  	[sflag:s10] =	ssyncset.done $0x0  }
0x31: {  	[sflag:s10] =	ssyncadd.s32 $0xFFFFC000  }
0x32: {  	[hbm4b:s13+s3] =	stream.linear.scatter [tilespmem:s9], [sflag:$0x3], $0x4000, $0x38;
	[tilespmem:$0x8100] =	vst v63  }
.Ltmp1:
0x33: {  	_ =	swait.ge [sflag:s12], $0x4000;
	(pc) =	sbr.rel @p0 .LBB2_1-.Ltmp1, $4  }
0x34: {  	[sflag:s12] =	ssyncset.done $0x0  }
0x35: {  	[sflag:s12] =	ssyncadd.s32 $0xFFFFC000  }
0x36: {  	_ =	swait.ge [sflag:s12], $0x4000  }
0x37: {  	[sflag:s12] =	ssyncset.done $0x0  }
.LBB2_2:
0x38: {  	[sflag:s12] =	ssyncadd.s32 $0xFFFFC000  }
0x39: {  	_ =	sfence.sel $0x180000  }
0x3a: {  	[bflag:$0x0] =	sbarrier.arrive $0xFFFF  }
0x3b: {  	p0 =	sne.s32 s0, $0x0;
	_ =	strace $0x9000004A  }
0x3c: {  	s0 =	sadd.s32 @!p0 $0x100000, s1;
	[bflag:$0x2] =	sbarrier.arrive $0xFFFF  }
0x3d: {  	[sflag:s0] =	ssyncadd.tile.s32 @!p0 $0x1;
	_ =	shalt  }
.Lfunc_end2:
_tile_overlayer_lowered:
.L_overlay_start_2:
0x3e: {  	(tag) =	ssettag $0x2  }
0x3f: {  	s0 =	rddreg [dreg:$0x0];
	s2 =	stileid.u32  }
0x40: {  	s1 =	rddreg [dreg:$0x1];
	p0 =	sne.s32 s2, $0x0  }
0x41: {  	s3 =	rddreg [dreg:$0x2];
	[bflag:$0x3] =	sbarrier.arrive $0xFFFF;
	s2 =	simm.s32 @!p0 $0x1C04  }
0x42: {  	[timem:s3], [sflag:s2] =	dma.local @!p0 [hbm:s0], s1  }
0x43: {  	s0 =	simm.s32 @!p0 $0x4  }
0x44: {  	_ =	swait.ge @!p0 [sflag:s0], s1  }
0x45: {  	s1 =	ssub.s32 @!p0 $0x0, s1;
	[sflag:s0] =	ssyncset.done @!p0 $0x0  }
0x46: {  	[sflag:s0] =	ssyncadd.s32 @!p0 s1  }
0x47: {  	[bflag:$0x3] =	sbarrier.arrive $0xFFFF  }
0x48: {  	_ =	shalt  }

</sc_bundles>
